<compile_context>
chip_gen: v7x
topology: tpu7x:2x2x1
jax: 0.10.2.dev20260603
libtpu: 0.0.44.dev20260713+nightly
codegen_flags: <defaults>
</compile_context>

<pallas_src>
import jax
import jax.numpy as jnp
from jax import lax
from jax.experimental import pallas as pl
from jax.experimental.pallas import tpu as pltpu
from jax.experimental.pallas import tpu_sc as plsc

N = 320000
D = 128
M = 4096

NC = 2
NS = 16
NW = NC * NS
ROWS_PER_TILE = N // NW
BLK = 80
NBLK = ROWS_PER_TILE // BLK
STRIPE = M // NS
CH = 64
SEGS = M // NW
NR = N // D
NRP = 2560
RMP = NRP + 16
BIG = 1 << 30


def _sc_body(vi_hbm, idx_hbm, idx2d_hbm, rowmax_hbm, sums_hbm, counts_hbm,
             buf_a, buf_b, buf_c, idx_all, rowmax_buf, region_buf, cnt_buf,
             acc_shared, gsem_a, gsem_b, gsem_c, rsem_a, rsem_b, rsem_c):
  core = lax.axis_index("c")
  sub = lax.axis_index("s")
  wid = core * NS + sub
  base = wid * ROWS_PER_TILE

  zeros16 = jnp.zeros((16,), jnp.float32)

  def _zero_row(i, _):
    for j in range(D // 16):
      buf_a[i, pl.ds(j * 16, 16)] = zeros16
    return 0
  lax.fori_loop(0, BLK, _zero_row, 0)

  zsl = buf_a.at[pl.ds(0, CH)]
  for c in range(STRIPE // CH):
    pltpu.sync_copy(zsl, acc_shared.at[pl.ds(sub * STRIPE + c * CH, CH)])

  pltpu.sync_copy(idx_hbm.at[wid], idx_all)

  pltpu.async_copy(vi_hbm.at[pl.ds(base, BLK)], buf_a, gsem_a)
  pltpu.async_copy(vi_hbm.at[pl.ds(base + BLK, BLK)], buf_b, gsem_b)
  pltpu.sync_copy(rowmax_hbm, rowmax_buf)
  plsc.subcore_barrier()

  bufs = (buf_a, buf_b, buf_c)
  gsems = (gsem_a, gsem_b, gsem_c)
  rsems = (rsem_a, rsem_b, rsem_c)

  def _step(s, i):
    buf = bufs[i]
    pltpu.make_async_copy(
        vi_hbm.at[pl.ds(base + s * BLK, BLK)], buf, gsems[i]).wait()
    pltpu.async_copy(buf, acc_shared.at[idx_all.at[s]], rsems[i],
                     add=True)
    pbuf, prsem, pgsem = bufs[(i + 2) % 3], rsems[(i + 2) % 3], \
        gsems[(i + 2) % 3]

    @pl.when(s >= 1)
    def _():
      pltpu.make_async_copy(pbuf, acc_shared.at[idx_all.at[s]],
                            prsem).wait()

    @pl.when(s + 2 < NBLK)
    def _():
      pltpu.async_copy(vi_hbm.at[pl.ds(base + (s + 2) * BLK, BLK)], pbuf,
                       pgsem)

  m0 = wid * SEGS
  lane = lax.iota(jnp.int32, 16)

  def _pcount(v, m):
    t = jnp.int32(0)
    for j in range(16):
      t = t + jnp.where(v[j] <= m, 1, 0)
    return t

  def _find_row(m):
    def bs(_, lohi):
      lo, hi = lohi
      mid = (lo + hi) // 2
      v = rowmax_buf[pl.ds(pl.multiple_of(mid * 8, 8), 16)]
      go = v[0] <= m
      nlo = jnp.where(go, mid + 1, lo)
      nhi = jnp.where(go, hi, mid)
      live = lo < hi
      return (jnp.where(live, nlo, lo), jnp.where(live, nhi, hi))
    p, _ = lax.fori_loop(0, 9, bs, (jnp.int32(0), jnp.int32(NRP // 8)))
    bl = jnp.maximum(8 * (p - 1), 0)
    w = rowmax_buf[pl.ds(pl.multiple_of(bl, 8), 16)]
    return bl + _pcount(w, m)

  def _e_of(m, cbase):
    r = _find_row(m)
    need = (r < cbase) | (r >= cbase + 128)
    ncbase = jnp.where(need, jnp.minimum((r // 8) * 8, NRP - 128), cbase)

    @pl.when(need)
    def _():
      pltpu.sync_copy(
          idx2d_hbm.at[pl.ds(pl.multiple_of(ncbase, 8), 128)], region_buf)
    rr = r - ncbase

    def ibs(_, lohi):
      lo, hi = lohi
      mid = (lo + hi) // 2
      v = region_buf[rr, pl.ds(pl.multiple_of(mid * 8, 8), 16)]
      go = v[0] <= m
      nlo = jnp.where(go, mid + 1, lo)
      nhi = jnp.where(go, hi, mid)
      live = lo < hi
      return (jnp.where(live, nlo, lo), jnp.where(live, nhi, hi))
    q, _ = lax.fori_loop(0, 4, ibs, (jnp.int32(0), jnp.int32(D // 8 - 1)))
    bl = jnp.clip(8 * (q - 1), 0, D - 16)
    w = region_buf[rr, pl.ds(pl.multiple_of(bl, 8), 16)]
    return r * D + bl + _pcount(w, m), ncbase

  e_prev0, cb0 = _e_of(m0 - 1, jnp.int32(-(1 << 20)))

  def _group(g, carry):
    e_prev, cbase = carry

    def _one(k, kc):
      e_prev, cbase, vec = kc
      m = m0 + g * 16 + k
      e, cbase = _e_of(m, cbase)
      d = (e - e_prev).astype(jnp.float32)
      vec = jnp.where(lane == k, d, vec)
      return (e, cbase, vec)

    e_prev, cbase, vec = lax.fori_loop(
        0, 16, _one, (e_prev, cbase, zeros16))
    cnt_buf[pl.ds(g * 16, 16)] = vec
    return (e_prev, cbase)

  def _triple(t, carry):
    _step(3 * t, 0)
    carry = lax.cond(t < SEGS // 16, lambda c: _group(t, c),
                     lambda c: c, carry)
    _step(3 * t + 1, 1)
    _step(3 * t + 2, 2)
    return carry
  lax.fori_loop(0, NBLK // 3, _triple, (e_prev0, cb0))
  _step(NBLK - 2, 0)
  _step(NBLK - 1, 1)
  pltpu.make_async_copy(buf_b, acc_shared.at[idx_all.at[NBLK - 1]],
                        rsem_b).wait()
  pltpu.sync_copy(cnt_buf, counts_hbm.at[wid])

  plsc.subcore_barrier()
  asl = buf_a.at[pl.ds(0, CH)]
  for c in range(STRIPE // CH):
    srow = sub * STRIPE + c * CH
    pltpu.sync_copy(acc_shared.at[pl.ds(srow, CH)], asl)
    pltpu.sync_copy(asl, sums_hbm.at[pl.ds(core * M + srow, CH)])


@jax.jit
def _sc_segsum(vi, idx):
  mesh = plsc.VectorSubcoreMesh(
      core_axis_name="c", subcore_axis_name="s", num_cores=NC,
      num_subcores=NS)
  f = pl.kernel(
      _sc_body,
      out_type=(
          jax.ShapeDtypeStruct((NC * M, D), jnp.float32),
          jax.ShapeDtypeStruct((NW, SEGS), jnp.float32),
      ),
      mesh=mesh,
      scratch_types=[
          pltpu.VMEM((BLK, D), jnp.float32),
          pltpu.VMEM((BLK, D), jnp.float32),
          pltpu.VMEM((BLK, D), jnp.float32),
          pltpu.VMEM((NBLK, BLK), jnp.int32),
          pltpu.VMEM((RMP,), jnp.int32),
          pltpu.VMEM((128, D), jnp.int32),
          pltpu.VMEM((SEGS,), jnp.float32),
          pltpu.VMEM_SHARED((M, D), jnp.float32),
          pltpu.SemaphoreType.DMA,
          pltpu.SemaphoreType.DMA,
          pltpu.SemaphoreType.DMA,
          pltpu.SemaphoreType.DMA,
          pltpu.SemaphoreType.DMA,
          pltpu.SemaphoreType.DMA,
      ],
  )
  idx_pad = jnp.concatenate(
      [idx, jnp.full((NRP * D - N,), BIG, jnp.int32)]).reshape(NRP, D)
  rowmax = jnp.concatenate(
      [idx_pad[:, D - 1], jnp.full((RMP - NRP,), BIG, jnp.int32)])
  return f(vi, idx.reshape(NW, NBLK, BLK), idx_pad, rowmax)


def _tc_body(parts_ref, counts_ref, w1_ref, b1_ref, g1_ref, be1_ref,
             w2_ref, b2_ref, g2_ref, be2_ref, w3_ref, b3_ref, out_ref):
  seg = parts_ref[0:M] + parts_ref[M:2 * M]
  cnt = counts_ref[...]
  mean = seg / jnp.maximum(cnt, 1.0)

  h = jnp.dot(mean, w1_ref[...], preferred_element_type=jnp.float32)
  h = h + b1_ref[...]
  mu = jnp.mean(h, axis=0, keepdims=True)
  var = jnp.mean((h - mu) * (h - mu), axis=0, keepdims=True)
  h = (h - mu) / jnp.sqrt(var + 1e-5) * g1_ref[...] + be1_ref[...]
  h = jnp.maximum(h, 0.0)

  h = jnp.dot(h, w2_ref[...], preferred_element_type=jnp.float32)
  h = h + b2_ref[...]
  mu = jnp.mean(h, axis=0, keepdims=True)
  var = jnp.mean((h - mu) * (h - mu), axis=0, keepdims=True)
  h = (h - mu) / jnp.sqrt(var + 1e-5) * g2_ref[...] + be2_ref[...]
  h = jnp.maximum(h, 0.0)

  out_ref[...] = (
      jnp.dot(h, w3_ref[...], preferred_element_type=jnp.float32)
      + b3_ref[...])


@jax.jit
def _tc_mlp(parts, counts, W1, b1, g1, be1, W2, b2, g2, be2, W3, b3):
  return pl.pallas_call(
      _tc_body,
      out_shape=jax.ShapeDtypeStruct((M, 1), jnp.float32),
  )(parts, counts, W1, b1, g1, be1, W2, b2, g2, be2, W3, b3)


def kernel(vi, atom_mol_batch, W1, b1, g1, be1, W2, b2, g2, be2, W3, b3):
  idx = atom_mol_batch.astype(jnp.int32)
  parts, counts = _sc_segsum(vi, idx)
  return _tc_mlp(
      parts, counts.reshape(M, 1), W1, b1.reshape(1, D), g1.reshape(1, D),
      be1.reshape(1, D), W2, b2.reshape(1, D), g2.reshape(1, D),
      be2.reshape(1, D), W3, b3.reshape(1, 1))

# --- scband reference (transcript-rebuilt; emitter-appended) ---
"""Pipeline reference for scband-pooling-readout-32195074851221 (READ-ONLY COPY).

The authoritative reference and input builder live on the scoring server;
editing this copy changes nothing except your own understanding.
"""

import jax, jax.numpy as jnp
import numpy as np

N = 320000
D = 128
M = 4096


def setup_inputs(seed: int = 0) -> dict:
    key = jax.random.key(seed)
    ks = jax.random.split(key, 12)
    vi = jax.random.normal(ks[0], (N, D), dtype=jnp.float32)
    atom_mol_batch = jnp.sort(jax.random.randint(ks[1], (N,), 0, M, dtype=jnp.int64))
    W1 = jax.random.normal(ks[2], (D, D), dtype=jnp.float32) * 0.05
    b1 = jnp.zeros((D,), dtype=jnp.float32)
    g1 = jnp.ones((D,), dtype=jnp.float32)
    be1 = jnp.zeros((D,), dtype=jnp.float32)
    W2 = jax.random.normal(ks[3], (D, D), dtype=jnp.float32) * 0.05
    b2 = jnp.zeros((D,), dtype=jnp.float32)
    g2 = jnp.ones((D,), dtype=jnp.float32)
    be2 = jnp.zeros((D,), dtype=jnp.float32)
    W3 = jax.random.normal(ks[4], (D, 1), dtype=jnp.float32) * 0.05
    b3 = jnp.zeros((1,), dtype=jnp.float32)
    return {"vi": vi, "atom_mol_batch": atom_mol_batch, "W1": W1, "b1": b1, "g1": g1, "be1": be1, "W2": W2, "b2": b2, "g2": g2, "be2": be2, "W3": W3, "b3": b3}


def _batch_norm(x, g, b, eps=1e-5):
    mu = jnp.mean(x, axis=0)
    var = jnp.var(x, axis=0)
    return (x - mu) / jnp.sqrt(var + eps) * g + b


def reference(vi, atom_mol_batch, W1, b1, g1, be1, W2, b2, g2, be2, W3, b3):
    # scatter(reduce='mean', src=atom_embed, index=atom_mol_batch, dim=0)
    seg_sum = jax.ops.segment_sum(vi, atom_mol_batch, num_segments=M)
    counts = jax.ops.segment_sum(jnp.ones((vi.shape[0],), dtype=vi.dtype), atom_mol_batch, num_segments=M)
    mol_embed = seg_sum / jnp.maximum(counts, 1.0)[:, None]
    # LinReadout: Linear -> BN -> ReLU -> (Dropout p=0) -> Linear -> BN -> ReLU -> Linear
    h = mol_embed @ W1 + b1
    h = _batch_norm(h, g1, be1)
    h = jax.nn.relu(h)
    h = h @ W2 + b2
    h = _batch_norm(h, g2, be2)
    h = jax.nn.relu(h)
    mol_prop = h @ W3 + b3
    return mol_prop

if __name__ == "__main__":
    import jax
    _d = setup_inputs()
    print(jax.jit(kernel)(*tuple(_d.values())))

</pallas_src>

<mosaic_0001>
#map = affine_map<(d0, d1) -> (0, 0)>
#map1 = affine_map<(d0, d1) -> (0, 0, 0)>
#map2 = affine_map<(d0, d1) -> (0)>
module attributes {stable_mosaic.version = 14 : i64} {
  func.func @_sc_body(%arg0: i32, %arg1: i32, %arg2: memref<320000x128xf32, #tpu.memory_space<hbm>>, %arg3: memref<32x125x80xi32, #tpu.memory_space<hbm>>, %arg4: memref<2560x128xi32, #tpu.memory_space<hbm>>, %arg5: memref<2576xi32, #tpu.memory_space<hbm>>, %arg6: memref<8192x128xf32, #tpu.memory_space<hbm>>, %arg7: memref<32x128xf32, #tpu.memory_space<hbm>>, %arg8: memref<80x128xf32, #tpu.memory_space<vmem>>, %arg9: memref<80x128xf32, #tpu.memory_space<vmem>>, %arg10: memref<80x128xf32, #tpu.memory_space<vmem>>, %arg11: memref<125x80xi32, #tpu.memory_space<vmem>>, %arg12: memref<2576xi32, #tpu.memory_space<vmem>>, %arg13: memref<128x128xi32, #tpu.memory_space<vmem>>, %arg14: memref<128xf32, #tpu.memory_space<vmem>>, %arg15: memref<4096x128xf32, #tpu.memory_space<vmem_shared>>, %arg16: memref<!tpu.dma_semaphore, #tpu.memory_space<semaphore_mem>>, %arg17: memref<!tpu.dma_semaphore, #tpu.memory_space<semaphore_mem>>, %arg18: memref<!tpu.dma_semaphore, #tpu.memory_space<semaphore_mem>>, %arg19: memref<!tpu.dma_semaphore, #tpu.memory_space<semaphore_mem>>, %arg20: memref<!tpu.dma_semaphore, #tpu.memory_space<semaphore_mem>>, %arg21: memref<!tpu.dma_semaphore, #tpu.memory_space<semaphore_mem>>) attributes {dimension_semantics = [#tpu.dimension_semantics<core_parallel>, #tpu.dimension_semantics<subcore_parallel>], iteration_bounds = array<i64: 2, 16>, scalar_prefetch = 0 : i64, scratch_operands = 14 : i64, tpu.core_type = #tpu.core_type<sc_vector_subcore>, window_params = [{transform_indices = #map}, {transform_indices = #map1}, {transform_indices = #map}, {transform_indices = #map2}, {transform_indices = #map}, {transform_indices = #map}]} {
    %mul3A = arith.constant 16 : i32
    %mul3A_0 = arith.muli %arg0, %mul3A : i32
    %add3A = arith.addi %mul3A_0, %arg1 : i32
    %mul3A_1 = arith.constant 10000 : i32
    %mul3A_2 = arith.muli %add3A, %mul3A_1 : i32
    %broadcast_in_dim3A = arith.constant 0.000000e+00 : f32
    %broadcast_in_dim3A_3 = vector.broadcast %broadcast_in_dim3A : f32 to vector<16xf32>
    %scan3A = arith.constant 0 : i32
    %scan3A_4 = arith.constant 0 : i32
    %scan3A_5 = arith.constant 80 : i32
    %scan3A_6 = arith.addi %scan3A_4, %scan3A_5 : i32
    %scan3A_7 = arith.constant 1 : i32
    %scan3A_8 = scf.for %scan3A_411 = %scan3A_4 to %scan3A_6 step %scan3A_7 iter_args(%scan3A_412 = %scan3A) -> (i32)  : i32 {
      %swap3A = arith.index_cast %scan3A_411 : i32 to index
      %swap3A_413 = arith.constant 0 : index
      %swap3A_414 = tpu.vector_load %arg8[%swap3A, %swap3A_413] {strides = array<i32>} : memref<80x128xf32, #tpu.memory_space<vmem>>, vector<1x16xf32>,
      %swap3A_415 = vector.shape_cast %swap3A_414 : vector<1x16xf32> to vector<16xf32>
      %swap3A_416 = vector.shape_cast %broadcast_in_dim3A_3 : vector<16xf32> to vector<1x16xf32>
      tpu.vector_store %arg8[%swap3A, %swap3A_413], %swap3A_416 {strides = array<i32>} : memref<80x128xf32, #tpu.memory_space<vmem>>, vector<1x16xf32>,
      %swap3A_417 = arith.index_cast %scan3A_411 : i32 to index
      %swap3A_418 = arith.constant 16 : index
      %swap3A_419 = tpu.vector_load %arg8[%swap3A_417, %swap3A_418] {strides = array<i32>} : memref<80x128xf32, #tpu.memory_space<vmem>>, vector<1x16xf32>,
      %swap3A_420 = vector.shape_cast %swap3A_419 : vector<1x16xf32> to vector<16xf32>
      %swap3A_421 = vector.shape_cast %broadcast_in_dim3A_3 : vector<16xf32> to vector<1x16xf32>
      tpu.vector_store %arg8[%swap3A_417, %swap3A_418], %swap3A_421 {strides = array<i32>} : memref<80x128xf32, #tpu.memory_space<vmem>>, vector<1x16xf32>,
      %swap3A_422 = arith.index_cast %scan3A_411 : i32 to index
      %swap3A_423 = arith.constant 32 : index
      %swap3A_424 = tpu.vector_load %arg8[%swap3A_422, %swap3A_423] {strides = array<i32>} : memref<80x128xf32, #tpu.memory_space<vmem>>, vector<1x16xf32>,
      %swap3A_425 = vector.shape_cast %swap3A_424 : vector<1x16xf32> to vector<16xf32>
      %swap3A_426 = vector.shape_cast %broadcast_in_dim3A_3 : vector<16xf32> to vector<1x16xf32>
      tpu.vector_store %arg8[%swap3A_422, %swap3A_423], %swap3A_426 {strides = array<i32>} : memref<80x128xf32, #tpu.memory_space<vmem>>, vector<1x16xf32>,
      %swap3A_427 = arith.index_cast %scan3A_411 : i32 to index
      %swap3A_428 = arith.constant 48 : index
      %swap3A_429 = tpu.vector_load %arg8[%swap3A_427, %swap3A_428] {strides = array<i32>} : memref<80x128xf32, #tpu.memory_space<vmem>>, vector<1x16xf32>,
      %swap3A_430 = vector.shape_cast %swap3A_429 : vector<1x16xf32> to vector<16xf32>
      %swap3A_431 = vector.shape_cast %broadcast_in_dim3A_3 : vector<16xf32> to vector<1x16xf32>
      tpu.vector_store %arg8[%swap3A_427, %swap3A_428], %swap3A_431 {strides = array<i32>} : memref<80x128xf32, #tpu.memory_space<vmem>>, vector<1x16xf32>,
      %swap3A_432 = arith.index_cast %scan3A_411 : i32 to index
      %swap3A_433 = arith.constant 64 : index
      %swap3A_434 = tpu.vector_load %arg8[%swap3A_432, %swap3A_433] {strides = array<i32>} : memref<80x128xf32, #tpu.memory_space<vmem>>, vector<1x16xf32>,
      %swap3A_435 = vector.shape_cast %swap3A_434 : vector<1x16xf32> to vector<16xf32>
      %swap3A_436 = vector.shape_cast %broadcast_in_dim3A_3 : vector<16xf32> to vector<1x16xf32>
      tpu.vector_store %arg8[%swap3A_432, %swap3A_433], %swap3A_436 {strides = array<i32>} : memref<80x128xf32, #tpu.memory_space<vmem>>, vector<1x16xf32>,
      %swap3A_437 = arith.index_cast %scan3A_411 : i32 to index
      %swap3A_438 = arith.constant 80 : index
      %swap3A_439 = tpu.vector_load %arg8[%swap3A_437, %swap3A_438] {strides = array<i32>} : memref<80x128xf32, #tpu.memory_space<vmem>>, vector<1x16xf32>,
      %swap3A_440 = vector.shape_cast %swap3A_439 : vector<1x16xf32> to vector<16xf32>
      %swap3A_441 = vector.shape_cast %broadcast_in_dim3A_3 : vector<16xf32> to vector<1x16xf32>
      tpu.vector_store %arg8[%swap3A_437, %swap3A_438], %swap3A_441 {strides = array<i32>} : memref<80x128xf32, #tpu.memory_space<vmem>>, vector<1x16xf32>,
      %swap3A_442 = arith.index_cast %scan3A_411 : i32 to index
      %swap3A_443 = arith.constant 96 : index
      %swap3A_444 = tpu.vector_load %arg8[%swap3A_442, %swap3A_443] {strides = array<i32>} : memref<80x128xf32, #tpu.memory_space<vmem>>, vector<1x16xf32>,
      %swap3A_445 = vector.shape_cast %swap3A_444 : vector<1x16xf32> to vector<16xf32>
      %swap3A_446 = vector.shape_cast %broadcast_in_dim3A_3 : vector<16xf32> to vector<1x16xf32>
      tpu.vector_store %arg8[%swap3A_442, %swap3A_443], %swap3A_446 {strides = array<i32>} : memref<80x128xf32, #tpu.memory_space<vmem>>, vector<1x16xf32>,
      %swap3A_447 = arith.index_cast %scan3A_411 : i32 to index
      %swap3A_448 = arith.constant 112 : index
      %swap3A_449 = tpu.vector_load %arg8[%swap3A_447, %swap3A_448] {strides = array<i32>} : memref<80x128xf32, #tpu.memory_space<vmem>>, vector<1x16xf32>,
      %swap3A_450 = vector.shape_cast %swap3A_449 : vector<1x16xf32> to vector<16xf32>
      %swap3A_451 = vector.shape_cast %broadcast_in_dim3A_3 : vector<16xf32> to vector<1x16xf32>
      tpu.vector_store %arg8[%swap3A_447, %swap3A_448], %swap3A_451 {strides = array<i32>} : memref<80x128xf32, #tpu.memory_space<vmem>>, vector<1x16xf32>,
      %scan3A_452 = arith.constant 0 : i32
      scf.yield %scan3A_452 : i32
    }
    %scan3A_9 = arith.constant 80 : i32
    %mul3A_10 = arith.constant 256 : i32
    %mul3A_11 = arith.muli %arg1, %mul3A_10 : i32
    %add3A_12 = arith.constant 0 : i32
    %add3A_13 = arith.addi %mul3A_11, %add3A_12 : i32
    "tpu.region"() ({
      %run_scoped3A = tpu.sem_alloc : memref<!tpu.dma_semaphore, #tpu.memory_space<semaphore_mem>>
      %dma_start3A_411 = arith.constant 0 : i32
      %dma_start3A_412 = arith.constant 0 : i32
      %dma_start3A_413 = tpu.memref_slice %arg8[%dma_start3A_411, %dma_start3A_412] : memref<80x128xf32, #tpu.memory_space<vmem>> -> memref<64x128xf32, #tpu.memory_space<vmem>>
      %dma_start3A_414 = arith.constant 0 : i32
      %dma_start3A_415 = tpu.memref_slice %arg15[%add3A_13, %dma_start3A_414] : memref<4096x128xf32, #tpu.memory_space<vmem_shared>> -> memref<64x128xf32, #tpu.memory_space<vmem_shared>>
      %dma_start3A_416 = arith.constant 0 : i32
      %dma_start3A_417 = tpu.memref_slice %arg15[%add3A_13, %dma_start3A_416] : memref<4096x128xf32, #tpu.memory_space<vmem_shared>> -> memref<64x128xf32, #tpu.memory_space<vmem_shared>>
      %dma_start3A_418 = arith.constant 0 : i32
      %dma_start3A_419 = arith.constant 0 : i32
      %dma_start3A_420 = tpu.memref_slice %arg8[%dma_start3A_418, %dma_start3A_419] : memref<80x128xf32, #tpu.memory_space<vmem>> -> memref<64x128xf32, #tpu.memory_space<vmem>>
      tpu.enqueue_dma source(%dma_start3A_420 : memref<64x128xf32, #tpu.memory_space<vmem>>) target(%dma_start3A_417 : memref<64x128xf32, #tpu.memory_space<vmem_shared>>) target_semaphore(%run_scoped3A : memref<!tpu.dma_semaphore, #tpu.memory_space<semaphore_mem>>)
      %dma_wait3A_421 = arith.constant 0 : i32
      %dma_wait3A_422 = arith.constant 0 : i32
      %dma_wait3A_423 = tpu.memref_slice %arg8[%dma_wait3A_421, %dma_wait3A_422] : memref<80x128xf32, #tpu.memory_space<vmem>> -> memref<64x128xf32, #tpu.memory_space<vmem>>
      %dma_wait3A_424 = arith.constant 0 : i32
      %dma_wait3A_425 = tpu.memref_slice %arg15[%add3A_13, %dma_wait3A_424] : memref<4096x128xf32, #tpu.memory_space<vmem_shared>> -> memref<64x128xf32, #tpu.memory_space<vmem_shared>>
      %dma_wait3A_426 = arith.constant 0 : i32
      %dma_wait3A_427 = tpu.memref_slice %arg15[%add3A_13, %dma_wait3A_426] : memref<4096x128xf32, #tpu.memory_space<vmem_shared>> -> memref<64x128xf32, #tpu.memory_space<vmem_shared>>
      %dma_wait3A_428 = arith.constant 0 : i32
      %dma_wait3A_429 = arith.constant 0 : i32
      %dma_wait3A_430 = tpu.memref_slice %arg8[%dma_wait3A_428, %dma_wait3A_429] : memref<80x128xf32, #tpu.memory_space<vmem>> -> memref<64x128xf32, #tpu.memory_space<vmem>>
      tpu.wait_dma2 semaphore(%run_scoped3A : memref<!tpu.dma_semaphore, #tpu.memory_space<semaphore_mem>>) src(%dma_wait3A_430 : memref<64x128xf32, #tpu.memory_space<vmem>>) dst(%dma_wait3A_427 : memref<64x128xf32, #tpu.memory_space<vmem_shared>>)
      tpu.yield
    }) : () -> ()
    %mul3A_14 = arith.constant 256 : i32
    %mul3A_15 = arith.muli %arg1, %mul3A_14 : i32
    %add3A_16 = arith.constant 64 : i32
    %add3A_17 = arith.addi %mul3A_15, %add3A_16 : i32
    "tpu.region"() ({
      %run_scoped3A = tpu.sem_alloc : memref<!tpu.dma_semaphore, #tpu.memory_space<semaphore_mem>>
      %dma_start3A_411 = arith.constant 0 : i32
      %dma_start3A_412 = arith.constant 0 : i32
      %dma_start3A_413 = tpu.memref_slice %arg8[%dma_start3A_411, %dma_start3A_412] : memref<80x128xf32, #tpu.memory_space<vmem>> -> memref<64x128xf32, #tpu.memory_space<vmem>>
      %dma_start3A_414 = arith.constant 0 : i32
      %dma_start3A_415 = tpu.memref_slice %arg15[%add3A_17, %dma_start3A_414] : memref<4096x128xf32, #tpu.memory_space<vmem_shared>> -> memref<64x128xf32, #tpu.memory_space<vmem_shared>>
      %dma_start3A_416 = arith.constant 0 : i32
      %dma_start3A_417 = tpu.memref_slice %arg15[%add3A_17, %dma_start3A_416] : memref<4096x128xf32, #tpu.memory_space<vmem_shared>> -> memref<64x128xf32, #tpu.memory_space<vmem_shared>>
      %dma_start3A_418 = arith.constant 0 : i32
      %dma_start3A_419 = arith.constant 0 : i32
      %dma_start3A_420 = tpu.memref_slice %arg8[%dma_start3A_418, %dma_start3A_419] : memref<80x128xf32, #tpu.memory_space<vmem>> -> memref<64x128xf32, #tpu.memory_space<vmem>>
      tpu.enqueue_dma source(%dma_start3A_420 : memref<64x128xf32, #tpu.memory_space<vmem>>) target(%dma_start3A_417 : memref<64x128xf32, #tpu.memory_space<vmem_shared>>) target_semaphore(%run_scoped3A : memref<!tpu.dma_semaphore, #tpu.memory_space<semaphore_mem>>)
      %dma_wait3A_421 = arith.constant 0 : i32
      %dma_wait3A_422 = arith.constant 0 : i32
      %dma_wait3A_423 = tpu.memref_slice %arg8[%dma_wait3A_421, %dma_wait3A_422] : memref<80x128xf32, #tpu.memory_space<vmem>> -> memref<64x128xf32, #tpu.memory_space<vmem>>
      %dma_wait3A_424 = arith.constant 0 : i32
      %dma_wait3A_425 = tpu.memref_slice %arg15[%add3A_17, %dma_wait3A_424] : memref<4096x128xf32, #tpu.memory_space<vmem_shared>> -> memref<64x128xf32, #tpu.memory_space<vmem_shared>>
      %dma_wait3A_426 = arith.constant 0 : i32
      %dma_wait3A_427 = tpu.memref_slice %arg15[%add3A_17, %dma_wait3A_426] : memref<4096x128xf32, #tpu.memory_space<vmem_shared>> -> memref<64x128xf32, #tpu.memory_space<vmem_shared>>
      %dma_wait3A_428 = arith.constant 0 : i32
      %dma_wait3A_429 = arith.constant 0 : i32
      %dma_wait3A_430 = tpu.memref_slice %arg8[%dma_wait3A_428, %dma_wait3A_429] : memref<80x128xf32, #tpu.memory_space<vmem>> -> memref<64x128xf32, #tpu.memory_space<vmem>>
      tpu.wait_dma2 semaphore(%run_scoped3A : memref<!tpu.dma_semaphore, #tpu.memory_space<semaphore_mem>>) src(%dma_wait3A_430 : memref<64x128xf32, #tpu.memory_space<vmem>>) dst(%dma_wait3A_427 : memref<64x128xf32, #tpu.memory_space<vmem_shared>>)
      tpu.yield
    }) : () -> ()
    %mul3A_18 = arith.constant 256 : i32
    %mul3A_19 = arith.muli %arg1, %mul3A_18 : i32
    %add3A_20 = arith.constant 128 : i32
    %add3A_21 = arith.addi %mul3A_19, %add3A_20 : i32
    "tpu.region"() ({
      %run_scoped3A = tpu.sem_alloc : memref<!tpu.dma_semaphore, #tpu.memory_space<semaphore_mem>>
      %dma_start3A_411 = arith.constant 0 : i32
      %dma_start3A_412 = arith.constant 0 : i32
      %dma_start3A_413 = tpu.memref_slice %arg8[%dma_start3A_411, %dma_start3A_412] : memref<80x128xf32, #tpu.memory_space<vmem>> -> memref<64x128xf32, #tpu.memory_space<vmem>>
      %dma_start3A_414 = arith.constant 0 : i32
      %dma_start3A_415 = tpu.memref_slice %arg15[%add3A_21, %dma_start3A_414] : memref<4096x128xf32, #tpu.memory_space<vmem_shared>> -> memref<64x128xf32, #tpu.memory_space<vmem_shared>>
      %dma_start3A_416 = arith.constant 0 : i32
      %dma_start3A_417 = tpu.memref_slice %arg15[%add3A_21, %dma_start3A_416] : memref<4096x128xf32, #tpu.memory_space<vmem_shared>> -> memref<64x128xf32, #tpu.memory_space<vmem_shared>>
      %dma_start3A_418 = arith.constant 0 : i32
      %dma_start3A_419 = arith.constant 0 : i32
      %dma_start3A_420 = tpu.memref_slice %arg8[%dma_start3A_418, %dma_start3A_419] : memref<80x128xf32, #tpu.memory_space<vmem>> -> memref<64x128xf32, #tpu.memory_space<vmem>>
      tpu.enqueue_dma source(%dma_start3A_420 : memref<64x128xf32, #tpu.memory_space<vmem>>) target(%dma_start3A_417 : memref<64x128xf32, #tpu.memory_space<vmem_shared>>) target_semaphore(%run_scoped3A : memref<!tpu.dma_semaphore, #tpu.memory_space<semaphore_mem>>)
      %dma_wait3A_421 = arith.constant 0 : i32
      %dma_wait3A_422 = arith.constant 0 : i32
      %dma_wait3A_423 = tpu.memref_slice %arg8[%dma_wait3A_421, %dma_wait3A_422] : memref<80x128xf32, #tpu.memory_space<vmem>> -> memref<64x128xf32, #tpu.memory_space<vmem>>
      %dma_wait3A_424 = arith.constant 0 : i32
      %dma_wait3A_425 = tpu.memref_slice %arg15[%add3A_21, %dma_wait3A_424] : memref<4096x128xf32, #tpu.memory_space<vmem_shared>> -> memref<64x128xf32, #tpu.memory_space<vmem_shared>>
      %dma_wait3A_426 = arith.constant 0 : i32
      %dma_wait3A_427 = tpu.memref_slice %arg15[%add3A_21, %dma_wait3A_426] : memref<4096x128xf32, #tpu.memory_space<vmem_shared>> -> memref<64x128xf32, #tpu.memory_space<vmem_shared>>
      %dma_wait3A_428 = arith.constant 0 : i32
      %dma_wait3A_429 = arith.constant 0 : i32
      %dma_wait3A_430 = tpu.memref_slice %arg8[%dma_wait3A_428, %dma_wait3A_429] : memref<80x128xf32, #tpu.memory_space<vmem>> -> memref<64x128xf32, #tpu.memory_space<vmem>>
      tpu.wait_dma2 semaphore(%run_scoped3A : memref<!tpu.dma_semaphore, #tpu.memory_space<semaphore_mem>>) src(%dma_wait3A_430 : memref<64x128xf32, #tpu.memory_space<vmem>>) dst(%dma_wait3A_427 : memref<64x128xf32, #tpu.memory_space<vmem_shared>>)
      tpu.yield
    }) : () -> ()
    %mul3A_22 = arith.constant 256 : i32
    %mul3A_23 = arith.muli %arg1, %mul3A_22 : i32
    %add3A_24 = arith.constant 192 : i32
    %add3A_25 = arith.addi %mul3A_23, %add3A_24 : i32
    "tpu.region"() ({
      %run_scoped3A = tpu.sem_alloc : memref<!tpu.dma_semaphore, #tpu.memory_space<semaphore_mem>>
      %dma_start3A_411 = arith.constant 0 : i32
      %dma_start3A_412 = arith.constant 0 : i32
      %dma_start3A_413 = tpu.memref_slice %arg8[%dma_start3A_411, %dma_start3A_412] : memref<80x128xf32, #tpu.memory_space<vmem>> -> memref<64x128xf32, #tpu.memory_space<vmem>>
      %dma_start3A_414 = arith.constant 0 : i32
      %dma_start3A_415 = tpu.memref_slice %arg15[%add3A_25, %dma_start3A_414] : memref<4096x128xf32, #tpu.memory_space<vmem_shared>> -> memref<64x128xf32, #tpu.memory_space<vmem_shared>>
      %dma_start3A_416 = arith.constant 0 : i32
      %dma_start3A_417 = tpu.memref_slice %arg15[%add3A_25, %dma_start3A_416] : memref<4096x128xf32, #tpu.memory_space<vmem_shared>> -> memref<64x128xf32, #tpu.memory_space<vmem_shared>>
      %dma_start3A_418 = arith.constant 0 : i32
      %dma_start3A_419 = arith.constant 0 : i32
      %dma_start3A_420 = tpu.memref_slice %arg8[%dma_start3A_418, %dma_start3A_419] : memref<80x128xf32, #tpu.memory_space<vmem>> -> memref<64x128xf32, #tpu.memory_space<vmem>>
      tpu.enqueue_dma source(%dma_start3A_420 : memref<64x128xf32, #tpu.memory_space<vmem>>) target(%dma_start3A_417 : memref<64x128xf32, #tpu.memory_space<vmem_shared>>) target_semaphore(%run_scoped3A : memref<!tpu.dma_semaphore, #tpu.memory_space<semaphore_mem>>)
      %dma_wait3A_421 = arith.constant 0 : i32
      %dma_wait3A_422 = arith.constant 0 : i32
      %dma_wait3A_423 = tpu.memref_slice %arg8[%dma_wait3A_421, %dma_wait3A_422] : memref<80x128xf32, #tpu.memory_space<vmem>> -> memref<64x128xf32, #tpu.memory_space<vmem>>
      %dma_wait3A_424 = arith.constant 0 : i32
      %dma_wait3A_425 = tpu.memref_slice %arg15[%add3A_25, %dma_wait3A_424] : memref<4096x128xf32, #tpu.memory_space<vmem_shared>> -> memref<64x128xf32, #tpu.memory_space<vmem_shared>>
      %dma_wait3A_426 = arith.constant 0 : i32
      %dma_wait3A_427 = tpu.memref_slice %arg15[%add3A_25, %dma_wait3A_426] : memref<4096x128xf32, #tpu.memory_space<vmem_shared>> -> memref<64x128xf32, #tpu.memory_space<vmem_shared>>
      %dma_wait3A_428 = arith.constant 0 : i32
      %dma_wait3A_429 = arith.constant 0 : i32
      %dma_wait3A_430 = tpu.memref_slice %arg8[%dma_wait3A_428, %dma_wait3A_429] : memref<80x128xf32, #tpu.memory_space<vmem>> -> memref<64x128xf32, #tpu.memory_space<vmem>>
      tpu.wait_dma2 semaphore(%run_scoped3A : memref<!tpu.dma_semaphore, #tpu.memory_space<semaphore_mem>>) src(%dma_wait3A_430 : memref<64x128xf32, #tpu.memory_space<vmem>>) dst(%dma_wait3A_427 : memref<64x128xf32, #tpu.memory_space<vmem_shared>>)
      tpu.yield
    }) : () -> ()
    "tpu.region"() ({
      %run_scoped3A = tpu.sem_alloc : memref<!tpu.dma_semaphore, #tpu.memory_space<semaphore_mem>>
      %dma_start3A_411 = arith.constant 0 : i32
      %dma_start3A_412 = arith.constant 0 : i32
      %dma_start3A_413 = tpu.memref_slice %arg3[%add3A, %dma_start3A_411, %dma_start3A_412] : memref<32x125x80xi32, #tpu.memory_space<hbm>> -> memref<1x125x80xi32, #tpu.memory_space<hbm>>
      %dma_start3A_414 = tpu.memref_squeeze %dma_start3A_413 : memref<1x125x80xi32, #tpu.memory_space<hbm>> -> memref<125x80xi32, #tpu.memory_space<hbm>>
      %dma_start3A_415 = arith.constant 0 : i32
      %dma_start3A_416 = arith.constant 0 : i32
      %dma_start3A_417 = tpu.memref_slice %arg3[%add3A, %dma_start3A_415, %dma_start3A_416] : memref<32x125x80xi32, #tpu.memory_space<hbm>> -> memref<1x125x80xi32, #tpu.memory_space<hbm>>
      %dma_start3A_418 = tpu.memref_squeeze %dma_start3A_417 : memref<1x125x80xi32, #tpu.memory_space<hbm>> -> memref<125x80xi32, #tpu.memory_space<hbm>>
      tpu.enqueue_dma source(%dma_start3A_418 : memref<125x80xi32, #tpu.memory_space<hbm>>) target(%arg11 : memref<125x80xi32, #tpu.memory_space<vmem>>) target_semaphore(%run_scoped3A : memref<!tpu.dma_semaphore, #tpu.memory_space<semaphore_mem>>)
      %dma_wait3A_419 = arith.constant 0 : i32
      %dma_wait3A_420 = arith.constant 0 : i32
      %dma_wait3A_421 = tpu.memref_slice %arg3[%add3A, %dma_wait3A_419, %dma_wait3A_420] : memref<32x125x80xi32, #tpu.memory_space<hbm>> -> memref<1x125x80xi32, #tpu.memory_space<hbm>>
      %dma_wait3A_422 = tpu.memref_squeeze %dma_wait3A_421 : memref<1x125x80xi32, #tpu.memory_space<hbm>> -> memref<125x80xi32, #tpu.memory_space<hbm>>
      %dma_wait3A_423 = arith.constant 0 : i32
      %dma_wait3A_424 = arith.constant 0 : i32
      %dma_wait3A_425 = tpu.memref_slice %arg3[%add3A, %dma_wait3A_423, %dma_wait3A_424] : memref<32x125x80xi32, #tpu.memory_space<hbm>> -> memref<1x125x80xi32, #tpu.memory_space<hbm>>
      %dma_wait3A_426 = tpu.memref_squeeze %dma_wait3A_425 : memref<1x125x80xi32, #tpu.memory_space<hbm>> -> memref<125x80xi32, #tpu.memory_space<hbm>>
      tpu.wait_dma2 semaphore(%run_scoped3A : memref<!tpu.dma_semaphore, #tpu.memory_space<semaphore_mem>>) src(%dma_wait3A_426 : memref<125x80xi32, #tpu.memory_space<hbm>>) dst(%arg11 : memref<125x80xi32, #tpu.memory_space<vmem>>)
      tpu.yield
    }) : () -> ()
    %dma_start3A = arith.constant 0 : i32
    %dma_start3A_26 = tpu.memref_slice %arg2[%mul3A_2, %dma_start3A] : memref<320000x128xf32, #tpu.memory_space<hbm>> -> memref<80x128xf32, #tpu.memory_space<hbm>>
    %dma_start3A_27 = arith.constant 0 : i32
    %dma_start3A_28 = tpu.memref_slice %arg2[%mul3A_2, %dma_start3A_27] : memref<320000x128xf32, #tpu.memory_space<hbm>> -> memref<80x128xf32, #tpu.memory_space<hbm>>
    tpu.enqueue_dma source(%dma_start3A_28 : memref<80x128xf32, #tpu.memory_space<hbm>>) target(%arg8 : memref<80x128xf32, #tpu.memory_space<vmem>>) target_semaphore(%arg16 : memref<!tpu.dma_semaphore, #tpu.memory_space<semaphore_mem>>)
    %add3A_29 = arith.constant 80 : i32
    %add3A_30 = arith.addi %mul3A_2, %add3A_29 : i32
    %dma_start3A_31 = arith.constant 0 : i32
    %dma_start3A_32 = tpu.memref_slice %arg2[%add3A_30, %dma_start3A_31] : memref<320000x128xf32, #tpu.memory_space<hbm>> -> memref<80x128xf32, #tpu.memory_space<hbm>>
    %dma_start3A_33 = arith.constant 0 : i32
    %dma_start3A_34 = tpu.memref_slice %arg2[%add3A_30, %dma_start3A_33] : memref<320000x128xf32, #tpu.memory_space<hbm>> -> memref<80x128xf32, #tpu.memory_space<hbm>>
    tpu.enqueue_dma source(%dma_start3A_34 : memref<80x128xf32, #tpu.memory_space<hbm>>) target(%arg9 : memref<80x128xf32, #tpu.memory_space<vmem>>) target_semaphore(%arg17 : memref<!tpu.dma_semaphore, #tpu.memory_space<semaphore_mem>>)
    "tpu.region"() ({
      %run_scoped3A = tpu.sem_alloc : memref<!tpu.dma_semaphore, #tpu.memory_space<semaphore_mem>>
      tpu.enqueue_dma source(%arg5 : memref<2576xi32, #tpu.memory_space<hbm>>) target(%arg12 : memref<2576xi32, #tpu.memory_space<vmem>>) target_semaphore(%run_scoped3A : memref<!tpu.dma_semaphore, #tpu.memory_space<semaphore_mem>>)
      tpu.wait_dma2 semaphore(%run_scoped3A : memref<!tpu.dma_semaphore, #tpu.memory_space<semaphore_mem>>) src(%arg5 : memref<2576xi32, #tpu.memory_space<hbm>>) dst(%arg12 : memref<2576xi32, #tpu.memory_space<vmem>>)
      tpu.yield
    }) : () -> ()
    %barrier3A = arith.constant 0 : index
    tpu.barrier barrier_id(%barrier3A)
    %mul3A_35 = arith.constant 128 : i32
    %mul3A_36 = arith.muli %add3A, %mul3A_35 : i32
    %iota3A = tpu.iota {dimensions = array<i32: 0>} : vector<16xi32>
    %sub3A = arith.constant 1 : i32
    %sub3A_37 = arith.subi %mul3A_36, %sub3A : i32
    %scan3A_38 = arith.constant 0 : i32
    %scan3A_39 = arith.constant 320 : i32
    %scan3A_40 = arith.constant 0 : i32
    %scan3A_41 = arith.constant 9 : i32
    %scan3A_42 = arith.addi %scan3A_40, %scan3A_41 : i32
    %scan3A_43 = arith.constant 1 : i32
    %scan3A_44:2 = scf.for %scan3A_411 = %scan3A_40 to %scan3A_42 step %scan3A_43 iter_args(%scan3A_412 = %scan3A_38, %scan3A_413 = %scan3A_39) -> (i32, i32)  : i32 {
      %add3A_414 = arith.addi %scan3A_412, %scan3A_413 : i32
      %jit3A_415 = arith.constant 2 : i32
      %div3A_416 = arith.divsi %add3A_414, %jit3A_415 : i32
      %sign3A_417 = arith.constant 0 : i32
      %sign3A_418 = arith.cmpi sgt, %add3A_414, %sign3A_417 : i32
      %sign3A_419 = arith.extui %sign3A_418 : i1 to i32
      %sign3A_420 = arith.constant 0 : i32
      %sign3A_421 = arith.cmpi slt, %add3A_414, %sign3A_420 : i32
      %sign3A_422 = arith.extui %sign3A_421 : i1 to i32
      %sign3A_423 = arith.subi %sign3A_419, %sign3A_422 : i32
      %sign3A_424 = arith.constant 0 : i32
      %sign3A_425 = arith.cmpi sgt, %jit3A_415, %sign3A_424 : i32
      %sign3A_426 = arith.extui %sign3A_425 : i1 to i32
      %sign3A_427 = arith.constant 0 : i32
      %sign3A_428 = arith.cmpi slt, %jit3A_415, %sign3A_427 : i32
      %sign3A_429 = arith.extui %sign3A_428 : i1 to i32
      %sign3A_430 = arith.subi %sign3A_426, %sign3A_429 : i32
      %ne3A_431 = arith.cmpi ne, %sign3A_423, %sign3A_430 : i32
      %rem3A_432 = arith.remsi %add3A_414, %jit3A_415 : i32
      %ne3A_433 = arith.constant 0 : i32
      %ne3A_434 = arith.cmpi ne, %rem3A_432, %ne3A_433 : i32
      %and3A_435 = arith.andi %ne3A_431, %ne3A_434 : i1
      %sub3A_436 = arith.constant 1 : i32
      %sub3A_437 = arith.subi %div3A_416, %sub3A_436 : i32
      %select_n3A_438 = arith.select %and3A_435, %sub3A_437, %div3A_416 : i32
      %mul3A_439 = arith.constant 8 : i32
      %mul3A_440 = arith.muli %select_n3A_438, %mul3A_439 : i32
      %multiple_of3A_441 = tpu.assume_multiple %mul3A_440, 8 : i32
      %get3A_442 = arith.index_cast %multiple_of3A_441 : i32 to index
      %get3A_443 = tpu.vector_load %arg12[%get3A_442] {strides = array<i32>} : memref<2576xi32, #tpu.memory_space<vmem>>, vector<16xi32>,
      %get3A_444 = vector.shape_cast %get3A_443 : vector<16xi32> to vector<16xi32>
      %slice3A_445 = vector.extract_strided_slice %get3A_444 {offsets = [0], sizes = [1], strides = [1]} : vector<16xi32> to vector<1xi32>
      %squeeze3A_446 = vector.extract %slice3A_445[0] : i32 from vector<1xi32>
      %le3A_447 = arith.cmpi sle, %squeeze3A_446, %sub3A_37 : i32
      %add3A_448 = arith.constant 1 : i32
      %add3A_449 = arith.addi %select_n3A_438, %add3A_448 : i32
      %select_n3A_450 = arith.select %le3A_447, %add3A_449, %scan3A_412 : i32
      %select_n3A_451 = arith.select %le3A_447, %scan3A_413, %select_n3A_438 : i32
      %lt3A_452 = arith.cmpi slt, %scan3A_412, %scan3A_413 : i32
      %select_n3A_453 = arith.select %lt3A_452, %select_n3A_450, %scan3A_412 : i32
      %select_n3A_454 = arith.select %lt3A_452, %select_n3A_451, %scan3A_413 : i32
      scf.yield %select_n3A_453, %select_n3A_454 : i32, i32
    }
    %scan3A_45 = arith.constant 9 : i32
    %sub3A_46 = arith.constant 1 : i32
    %sub3A_47 = arith.subi %scan3A_44#0, %sub3A_46 : i32
    %mul3A_48 = arith.constant 8 : i32
    %mul3A_49 = arith.muli %mul3A_48, %sub3A_47 : i32
    %max3A = arith.constant 0 : i32
    %max3A_50 = arith.maxsi %mul3A_49, %max3A : i32
    %multiple_of3A = tpu.assume_multiple %max3A_50, 8 : i32
    %get3A = arith.index_cast %multiple_of3A : i32 to index
    %get3A_51 = tpu.vector_load %arg12[%get3A] {strides = array<i32>} : memref<2576xi32, #tpu.memory_space<vmem>>, vector<16xi32>,
    %get3A_52 = vector.shape_cast %get3A_51 : vector<16xi32> to vector<16xi32>
    %slice3A = vector.extract_strided_slice %get3A_52 {offsets = [0], sizes = [1], strides = [1]} : vector<16xi32> to vector<1xi32>
    %squeeze3A = vector.extract %slice3A[0] : i32 from vector<1xi32>
    %le3A = arith.cmpi sle, %squeeze3A, %sub3A_37 : i32
    %jit3A = arith.constant 1 : i32
    %jit3A_53 = arith.constant 0 : i32
    %select_n3A = arith.select %le3A, %jit3A, %jit3A_53 : i32
    %add3A_54 = arith.constant 0 : i32
    %add3A_55 = arith.addi %add3A_54, %select_n3A : i32
    %slice3A_56 = vector.extract_strided_slice %get3A_52 {offsets = [1], sizes = [1], strides = [1]} : vector<16xi32> to vector<1xi32>
    %squeeze3A_57 = vector.extract %slice3A_56[0] : i32 from vector<1xi32>
    %le3A_58 = arith.cmpi sle, %squeeze3A_57, %sub3A_37 : i32
    %jit3A_59 = arith.constant 1 : i32
    %jit3A_60 = arith.constant 0 : i32
    %select_n3A_61 = arith.select %le3A_58, %jit3A_59, %jit3A_60 : i32
    %add3A_62 = arith.addi %add3A_55, %select_n3A_61 : i32
    %slice3A_63 = vector.extract_strided_slice %get3A_52 {offsets = [2], sizes = [1], strides = [1]} : vector<16xi32> to vector<1xi32>
    %squeeze3A_64 = vector.extract %slice3A_63[0] : i32 from vector<1xi32>
    %le3A_65 = arith.cmpi sle, %squeeze3A_64, %sub3A_37 : i32
    %jit3A_66 = arith.constant 1 : i32
    %jit3A_67 = arith.constant 0 : i32
    %select_n3A_68 = arith.select %le3A_65, %jit3A_66, %jit3A_67 : i32
    %add3A_69 = arith.addi %add3A_62, %select_n3A_68 : i32
    %slice3A_70 = vector.extract_strided_slice %get3A_52 {offsets = [3], sizes = [1], strides = [1]} : vector<16xi32> to vector<1xi32>
    %squeeze3A_71 = vector.extract %slice3A_70[0] : i32 from vector<1xi32>
    %le3A_72 = arith.cmpi sle, %squeeze3A_71, %sub3A_37 : i32
    %jit3A_73 = arith.constant 1 : i32
    %jit3A_74 = arith.constant 0 : i32
    %select_n3A_75 = arith.select %le3A_72, %jit3A_73, %jit3A_74 : i32
    %add3A_76 = arith.addi %add3A_69, %select_n3A_75 : i32
    %slice3A_77 = vector.extract_strided_slice %get3A_52 {offsets = [4], sizes = [1], strides = [1]} : vector<16xi32> to vector<1xi32>
    %squeeze3A_78 = vector.extract %slice3A_77[0] : i32 from vector<1xi32>
    %le3A_79 = arith.cmpi sle, %squeeze3A_78, %sub3A_37 : i32
    %jit3A_80 = arith.constant 1 : i32
    %jit3A_81 = arith.constant 0 : i32
    %select_n3A_82 = arith.select %le3A_79, %jit3A_80, %jit3A_81 : i32
    %add3A_83 = arith.addi %add3A_76, %select_n3A_82 : i32
    %slice3A_84 = vector.extract_strided_slice %get3A_52 {offsets = [5], sizes = [1], strides = [1]} : vector<16xi32> to vector<1xi32>
    %squeeze3A_85 = vector.extract %slice3A_84[0] : i32 from vector<1xi32>
    %le3A_86 = arith.cmpi sle, %squeeze3A_85, %sub3A_37 : i32
    %jit3A_87 = arith.constant 1 : i32
    %jit3A_88 = arith.constant 0 : i32
    %select_n3A_89 = arith.select %le3A_86, %jit3A_87, %jit3A_88 : i32
    %add3A_90 = arith.addi %add3A_83, %select_n3A_89 : i32
    %slice3A_91 = vector.extract_strided_slice %get3A_52 {offsets = [6], sizes = [1], strides = [1]} : vector<16xi32> to vector<1xi32>
    %squeeze3A_92 = vector.extract %slice3A_91[0] : i32 from vector<1xi32>
    %le3A_93 = arith.cmpi sle, %squeeze3A_92, %sub3A_37 : i32
    %jit3A_94 = arith.constant 1 : i32
    %jit3A_95 = arith.constant 0 : i32
    %select_n3A_96 = arith.select %le3A_93, %jit3A_94, %jit3A_95 : i32
    %add3A_97 = arith.addi %add3A_90, %select_n3A_96 : i32
    %slice3A_98 = vector.extract_strided_slice %get3A_52 {offsets = [7], sizes = [1], strides = [1]} : vector<16xi32> to vector<1xi32>
    %squeeze3A_99 = vector.extract %slice3A_98[0] : i32 from vector<1xi32>
    %le3A_100 = arith.cmpi sle, %squeeze3A_99, %sub3A_37 : i32
    %jit3A_101 = arith.constant 1 : i32
    %jit3A_102 = arith.constant 0 : i32
    %select_n3A_103 = arith.select %le3A_100, %jit3A_101, %jit3A_102 : i32
    %add3A_104 = arith.addi %add3A_97, %select_n3A_103 : i32
    %slice3A_105 = vector.extract_strided_slice %get3A_52 {offsets = [8], sizes = [1], strides = [1]} : vector<16xi32> to vector<1xi32>
    %squeeze3A_106 = vector.extract %slice3A_105[0] : i32 from vector<1xi32>
    %le3A_107 = arith.cmpi sle, %squeeze3A_106, %sub3A_37 : i32
    %jit3A_108 = arith.constant 1 : i32
    %jit3A_109 = arith.constant 0 : i32
    %select_n3A_110 = arith.select %le3A_107, %jit3A_108, %jit3A_109 : i32
    %add3A_111 = arith.addi %add3A_104, %select_n3A_110 : i32
    %slice3A_112 = vector.extract_strided_slice %get3A_52 {offsets = [9], sizes = [1], strides = [1]} : vector<16xi32> to vector<1xi32>
    %squeeze3A_113 = vector.extract %slice3A_112[0] : i32 from vector<1xi32>
    %le3A_114 = arith.cmpi sle, %squeeze3A_113, %sub3A_37 : i32
    %jit3A_115 = arith.constant 1 : i32
    %jit3A_116 = arith.constant 0 : i32
    %select_n3A_117 = arith.select %le3A_114, %jit3A_115, %jit3A_116 : i32
    %add3A_118 = arith.addi %add3A_111, %select_n3A_117 : i32
    %slice3A_119 = vector.extract_strided_slice %get3A_52 {offsets = [10], sizes = [1], strides = [1]} : vector<16xi32> to vector<1xi32>
    %squeeze3A_120 = vector.extract %slice3A_119[0] : i32 from vector<1xi32>
    %le3A_121 = arith.cmpi sle, %squeeze3A_120, %sub3A_37 : i32
    %jit3A_122 = arith.constant 1 : i32
    %jit3A_123 = arith.constant 0 : i32
    %select_n3A_124 = arith.select %le3A_121, %jit3A_122, %jit3A_123 : i32
    %add3A_125 = arith.addi %add3A_118, %select_n3A_124 : i32
    %slice3A_126 = vector.extract_strided_slice %get3A_52 {offsets = [11], sizes = [1], strides = [1]} : vector<16xi32> to vector<1xi32>
    %squeeze3A_127 = vector.extract %slice3A_126[0] : i32 from vector<1xi32>
    %le3A_128 = arith.cmpi sle, %squeeze3A_127, %sub3A_37 : i32
    %jit3A_129 = arith.constant 1 : i32
    %jit3A_130 = arith.constant 0 : i32
    %select_n3A_131 = arith.select %le3A_128, %jit3A_129, %jit3A_130 : i32
    %add3A_132 = arith.addi %add3A_125, %select_n3A_131 : i32
    %slice3A_133 = vector.extract_strided_slice %get3A_52 {offsets = [12], sizes = [1], strides = [1]} : vector<16xi32> to vector<1xi32>
    %squeeze3A_134 = vector.extract %slice3A_133[0] : i32 from vector<1xi32>
    %le3A_135 = arith.cmpi sle, %squeeze3A_134, %sub3A_37 : i32
    %jit3A_136 = arith.constant 1 : i32
    %jit3A_137 = arith.constant 0 : i32
    %select_n3A_138 = arith.select %le3A_135, %jit3A_136, %jit3A_137 : i32
    %add3A_139 = arith.addi %add3A_132, %select_n3A_138 : i32
    %slice3A_140 = vector.extract_strided_slice %get3A_52 {offsets = [13], sizes = [1], strides = [1]} : vector<16xi32> to vector<1xi32>
    %squeeze3A_141 = vector.extract %slice3A_140[0] : i32 from vector<1xi32>
    %le3A_142 = arith.cmpi sle, %squeeze3A_141, %sub3A_37 : i32
    %jit3A_143 = arith.constant 1 : i32
    %jit3A_144 = arith.constant 0 : i32
    %select_n3A_145 = arith.select %le3A_142, %jit3A_143, %jit3A_144 : i32
    %add3A_146 = arith.addi %add3A_139, %select_n3A_145 : i32
    %slice3A_147 = vector.extract_strided_slice %get3A_52 {offsets = [14], sizes = [1], strides = [1]} : vector<16xi32> to vector<1xi32>
    %squeeze3A_148 = vector.extract %slice3A_147[0] : i32 from vector<1xi32>
    %le3A_149 = arith.cmpi sle, %squeeze3A_148, %sub3A_37 : i32
    %jit3A_150 = arith.constant 1 : i32
    %jit3A_151 = arith.constant 0 : i32
    %select_n3A_152 = arith.select %le3A_149, %jit3A_150, %jit3A_151 : i32
    %add3A_153 = arith.addi %add3A_146, %select_n3A_152 : i32
    %slice3A_154 = vector.extract_strided_slice %get3A_52 {offsets = [15], sizes = [1], strides = [1]} : vector<16xi32> to vector<1xi32>
    %squeeze3A_155 = vector.extract %slice3A_154[0] : i32 from vector<1xi32>
    %le3A_156 = arith.cmpi sle, %squeeze3A_155, %sub3A_37 : i32
    %jit3A_157 = arith.constant 1 : i32
    %jit3A_158 = arith.constant 0 : i32
    %select_n3A_159 = arith.select %le3A_156, %jit3A_157, %jit3A_158 : i32
    %add3A_160 = arith.addi %add3A_153, %select_n3A_159 : i32
    %add3A_161 = arith.addi %max3A_50, %add3A_160 : i32
    %lt3A = arith.constant -1048576 : i32
    %lt3A_162 = arith.cmpi slt, %add3A_161, %lt3A : i32
    %add3A_163 = arith.constant -1048576 : i32
    %add3A_164 = arith.constant 128 : i32
    %add3A_165 = arith.addi %add3A_163, %add3A_164 : i32
    %ge3A = arith.cmpi sge, %add3A_161, %add3A_165 : i32
    %or3A = arith.ori %lt3A_162, %ge3A : i1
    %jit3A_166 = arith.constant 8 : i32
    %div3A = arith.divsi %add3A_161, %jit3A_166 : i32
    %sign3A = arith.constant 0 : i32
    %sign3A_167 = arith.cmpi sgt, %add3A_161, %sign3A : i32
    %sign3A_168 = arith.extui %sign3A_167 : i1 to i32
    %sign3A_169 = arith.constant 0 : i32
    %sign3A_170 = arith.cmpi slt, %add3A_161, %sign3A_169 : i32
    %sign3A_171 = arith.extui %sign3A_170 : i1 to i32
    %sign3A_172 = arith.subi %sign3A_168, %sign3A_171 : i32
    %sign3A_173 = arith.constant 0 : i32
    %sign3A_174 = arith.cmpi sgt, %jit3A_166, %sign3A_173 : i32
    %sign3A_175 = arith.extui %sign3A_174 : i1 to i32
    %sign3A_176 = arith.constant 0 : i32
    %sign3A_177 = arith.cmpi slt, %jit3A_166, %sign3A_176 : i32
    %sign3A_178 = arith.extui %sign3A_177 : i1 to i32
    %sign3A_179 = arith.subi %sign3A_175, %sign3A_178 : i32
    %ne3A = arith.cmpi ne, %sign3A_172, %sign3A_179 : i32
    %rem3A = arith.remsi %add3A_161, %jit3A_166 : i32
    %ne3A_180 = arith.constant 0 : i32
    %ne3A_181 = arith.cmpi ne, %rem3A, %ne3A_180 : i32
    %and3A = arith.andi %ne3A, %ne3A_181 : i1
    %sub3A_182 = arith.constant 1 : i32
    %sub3A_183 = arith.subi %div3A, %sub3A_182 : i32
    %select_n3A_184 = arith.select %and3A, %sub3A_183, %div3A : i32
    %mul3A_185 = arith.constant 8 : i32
    %mul3A_186 = arith.muli %select_n3A_184, %mul3A_185 : i32
    %min3A = arith.constant 2432 : i32
    %min3A_187 = arith.minsi %mul3A_186, %min3A : i32
    %jit3A_188 = arith.constant -1048576 : i32
    %select_n3A_189 = arith.select %or3A, %min3A_187, %jit3A_188 : i32
    %convert_element_type3A = arith.extui %or3A : i1 to i32
    %cond3A = arith.constant 0 : i32
    %cond3A_190 = arith.cmpi ne, %convert_element_type3A, %cond3A : i32
    scf.if %cond3A_190 {
      %multiple_of3A_411 = tpu.assume_multiple %select_n3A_189, 8 : i32
      "tpu.region"() ({
        %run_scoped3A = tpu.sem_alloc : memref<!tpu.dma_semaphore, #tpu.memory_space<semaphore_mem>>
        %dma_start3A_412 = arith.constant 0 : i32
        %dma_start3A_413 = tpu.memref_slice %arg4[%multiple_of3A_411, %dma_start3A_412] : memref<2560x128xi32, #tpu.memory_space<hbm>> -> memref<128x128xi32, #tpu.memory_space<hbm>>
        %dma_start3A_414 = arith.constant 0 : i32
        %dma_start3A_415 = tpu.memref_slice %arg4[%multiple_of3A_411, %dma_start3A_414] : memref<2560x128xi32, #tpu.memory_space<hbm>> -> memref<128x128xi32, #tpu.memory_space<hbm>>
        tpu.enqueue_dma source(%dma_start3A_415 : memref<128x128xi32, #tpu.memory_space<hbm>>) target(%arg13 : memref<128x128xi32, #tpu.memory_space<vmem>>) target_semaphore(%run_scoped3A : memref<!tpu.dma_semaphore, #tpu.memory_space<semaphore_mem>>)
        %dma_wait3A_416 = arith.constant 0 : i32
        %dma_wait3A_417 = tpu.memref_slice %arg4[%multiple_of3A_411, %dma_wait3A_416] : memref<2560x128xi32, #tpu.memory_space<hbm>> -> memref<128x128xi32, #tpu.memory_space<hbm>>
        %dma_wait3A_418 = arith.constant 0 : i32
        %dma_wait3A_419 = tpu.memref_slice %arg4[%multiple_of3A_411, %dma_wait3A_418] : memref<2560x128xi32, #tpu.memory_space<hbm>> -> memref<128x128xi32, #tpu.memory_space<hbm>>
        tpu.wait_dma2 semaphore(%run_scoped3A : memref<!tpu.dma_semaphore, #tpu.memory_space<semaphore_mem>>) src(%dma_wait3A_419 : memref<128x128xi32, #tpu.memory_space<hbm>>) dst(%arg13 : memref<128x128xi32, #tpu.memory_space<vmem>>)
        tpu.yield
      }) : () -> ()
    } else {
    }
    %sub3A_191 = arith.subi %add3A_161, %select_n3A_189 : i32
    %scan3A_192 = arith.constant 0 : i32
    %scan3A_193 = arith.constant 15 : i32
    %scan3A_194 = arith.constant 0 : i32
    %scan3A_195 = arith.constant 4 : i32
    %scan3A_196 = arith.addi %scan3A_194, %scan3A_195 : i32
    %scan3A_197 = arith.constant 1 : i32
    %scan3A_198:2 = scf.for %scan3A_411 = %scan3A_194 to %scan3A_196 step %scan3A_197 iter_args(%scan3A_412 = %scan3A_192, %scan3A_413 = %scan3A_193) -> (i32, i32)  : i32 {
      %add3A_414 = arith.addi %scan3A_412, %scan3A_413 : i32
      %jit3A_415 = arith.constant 2 : i32
      %div3A_416 = arith.divsi %add3A_414, %jit3A_415 : i32
      %sign3A_417 = arith.constant 0 : i32
      %sign3A_418 = arith.cmpi sgt, %add3A_414, %sign3A_417 : i32
      %sign3A_419 = arith.extui %sign3A_418 : i1 to i32
      %sign3A_420 = arith.constant 0 : i32
      %sign3A_421 = arith.cmpi slt, %add3A_414, %sign3A_420 : i32
      %sign3A_422 = arith.extui %sign3A_421 : i1 to i32
      %sign3A_423 = arith.subi %sign3A_419, %sign3A_422 : i32
      %sign3A_424 = arith.constant 0 : i32
      %sign3A_425 = arith.cmpi sgt, %jit3A_415, %sign3A_424 : i32
      %sign3A_426 = arith.extui %sign3A_425 : i1 to i32
      %sign3A_427 = arith.constant 0 : i32
      %sign3A_428 = arith.cmpi slt, %jit3A_415, %sign3A_427 : i32
      %sign3A_429 = arith.extui %sign3A_428 : i1 to i32
      %sign3A_430 = arith.subi %sign3A_426, %sign3A_429 : i32
      %ne3A_431 = arith.cmpi ne, %sign3A_423, %sign3A_430 : i32
      %rem3A_432 = arith.remsi %add3A_414, %jit3A_415 : i32
      %ne3A_433 = arith.constant 0 : i32
      %ne3A_434 = arith.cmpi ne, %rem3A_432, %ne3A_433 : i32
      %and3A_435 = arith.andi %ne3A_431, %ne3A_434 : i1
      %sub3A_436 = arith.constant 1 : i32
      %sub3A_437 = arith.subi %div3A_416, %sub3A_436 : i32
      %select_n3A_438 = arith.select %and3A_435, %sub3A_437, %div3A_416 : i32
      %mul3A_439 = arith.constant 8 : i32
      %mul3A_440 = arith.muli %select_n3A_438, %mul3A_439 : i32
      %multiple_of3A_441 = tpu.assume_multiple %mul3A_440, 8 : i32
      %get3A_442 = arith.index_cast %sub3A_191 : i32 to index
      %get3A_443 = arith.index_cast %multiple_of3A_441 : i32 to index
      %get3A_444 = tpu.vector_load %arg13[%get3A_442, %get3A_443] {strides = array<i32>} : memref<128x128xi32, #tpu.memory_space<vmem>>, vector<1x16xi32>,
      %get3A_445 = vector.shape_cast %get3A_444 : vector<1x16xi32> to vector<16xi32>
      %slice3A_446 = vector.extract_strided_slice %get3A_445 {offsets = [0], sizes = [1], strides = [1]} : vector<16xi32> to vector<1xi32>
      %squeeze3A_447 = vector.extract %slice3A_446[0] : i32 from vector<1xi32>
      %le3A_448 = arith.cmpi sle, %squeeze3A_447, %sub3A_37 : i32
      %add3A_449 = arith.constant 1 : i32
      %add3A_450 = arith.addi %select_n3A_438, %add3A_449 : i32
      %select_n3A_451 = arith.select %le3A_448, %add3A_450, %scan3A_412 : i32
      %select_n3A_452 = arith.select %le3A_448, %scan3A_413, %select_n3A_438 : i32
      %lt3A_453 = arith.cmpi slt, %scan3A_412, %scan3A_413 : i32
      %select_n3A_454 = arith.select %lt3A_453, %select_n3A_451, %scan3A_412 : i32
      %select_n3A_455 = arith.select %lt3A_453, %select_n3A_452, %scan3A_413 : i32
      scf.yield %select_n3A_454, %select_n3A_455 : i32, i32
    }
    %scan3A_199 = arith.constant 4 : i32
    %sub3A_200 = arith.constant 1 : i32
    %sub3A_201 = arith.subi %scan3A_198#0, %sub3A_200 : i32
    %mul3A_202 = arith.constant 8 : i32
    %mul3A_203 = arith.muli %mul3A_202, %sub3A_201 : i32
    %jit3A_204 = arith.constant 0 : i32
    %jit3A_205 = arith.constant 112 : i32
    %max3A_206 = arith.maxsi %jit3A_204, %mul3A_203 : i32
    %min3A_207 = arith.minsi %jit3A_205, %max3A_206 : i32
    %multiple_of3A_208 = tpu.assume_multiple %min3A_207, 8 : i32
    %get3A_209 = arith.index_cast %sub3A_191 : i32 to index
    %get3A_210 = arith.index_cast %multiple_of3A_208 : i32 to index
    %get3A_211 = tpu.vector_load %arg13[%get3A_209, %get3A_210] {strides = array<i32>} : memref<128x128xi32, #tpu.memory_space<vmem>>, vector<1x16xi32>,
    %get3A_212 = vector.shape_cast %get3A_211 : vector<1x16xi32> to vector<16xi32>
    %mul3A_213 = arith.constant 128 : i32
    %mul3A_214 = arith.muli %add3A_161, %mul3A_213 : i32
    %add3A_215 = arith.addi %mul3A_214, %min3A_207 : i32
    %slice3A_216 = vector.extract_strided_slice %get3A_212 {offsets = [0], sizes = [1], strides = [1]} : vector<16xi32> to vector<1xi32>
    %squeeze3A_217 = vector.extract %slice3A_216[0] : i32 from vector<1xi32>
    %le3A_218 = arith.cmpi sle, %squeeze3A_217, %sub3A_37 : i32
    %jit3A_219 = arith.constant 1 : i32
    %jit3A_220 = arith.constant 0 : i32
    %select_n3A_221 = arith.select %le3A_218, %jit3A_219, %jit3A_220 : i32
    %add3A_222 = arith.constant 0 : i32
    %add3A_223 = arith.addi %add3A_222, %select_n3A_221 : i32
    %slice3A_224 = vector.extract_strided_slice %get3A_212 {offsets = [1], sizes = [1], strides = [1]} : vector<16xi32> to vector<1xi32>
    %squeeze3A_225 = vector.extract %slice3A_224[0] : i32 from vector<1xi32>
    %le3A_226 = arith.cmpi sle, %squeeze3A_225, %sub3A_37 : i32
    %jit3A_227 = arith.constant 1 : i32
    %jit3A_228 = arith.constant 0 : i32
    %select_n3A_229 = arith.select %le3A_226, %jit3A_227, %jit3A_228 : i32
    %add3A_230 = arith.addi %add3A_223, %select_n3A_229 : i32
    %slice3A_231 = vector.extract_strided_slice %get3A_212 {offsets = [2], sizes = [1], strides = [1]} : vector<16xi32> to vector<1xi32>
    %squeeze3A_232 = vector.extract %slice3A_231[0] : i32 from vector<1xi32>
    %le3A_233 = arith.cmpi sle, %squeeze3A_232, %sub3A_37 : i32
    %jit3A_234 = arith.constant 1 : i32
    %jit3A_235 = arith.constant 0 : i32
    %select_n3A_236 = arith.select %le3A_233, %jit3A_234, %jit3A_235 : i32
    %add3A_237 = arith.addi %add3A_230, %select_n3A_236 : i32
    %slice3A_238 = vector.extract_strided_slice %get3A_212 {offsets = [3], sizes = [1], strides = [1]} : vector<16xi32> to vector<1xi32>
    %squeeze3A_239 = vector.extract %slice3A_238[0] : i32 from vector<1xi32>
    %le3A_240 = arith.cmpi sle, %squeeze3A_239, %sub3A_37 : i32
    %jit3A_241 = arith.constant 1 : i32
    %jit3A_242 = arith.constant 0 : i32
    %select_n3A_243 = arith.select %le3A_240, %jit3A_241, %jit3A_242 : i32
    %add3A_244 = arith.addi %add3A_237, %select_n3A_243 : i32
    %slice3A_245 = vector.extract_strided_slice %get3A_212 {offsets = [4], sizes = [1], strides = [1]} : vector<16xi32> to vector<1xi32>
    %squeeze3A_246 = vector.extract %slice3A_245[0] : i32 from vector<1xi32>
    %le3A_247 = arith.cmpi sle, %squeeze3A_246, %sub3A_37 : i32
    %jit3A_248 = arith.constant 1 : i32
    %jit3A_249 = arith.constant 0 : i32
    %select_n3A_250 = arith.select %le3A_247, %jit3A_248, %jit3A_249 : i32
    %add3A_251 = arith.addi %add3A_244, %select_n3A_250 : i32
    %slice3A_252 = vector.extract_strided_slice %get3A_212 {offsets = [5], sizes = [1], strides = [1]} : vector<16xi32> to vector<1xi32>
    %squeeze3A_253 = vector.extract %slice3A_252[0] : i32 from vector<1xi32>
    %le3A_254 = arith.cmpi sle, %squeeze3A_253, %sub3A_37 : i32
    %jit3A_255 = arith.constant 1 : i32
    %jit3A_256 = arith.constant 0 : i32
    %select_n3A_257 = arith.select %le3A_254, %jit3A_255, %jit3A_256 : i32
    %add3A_258 = arith.addi %add3A_251, %select_n3A_257 : i32
    %slice3A_259 = vector.extract_strided_slice %get3A_212 {offsets = [6], sizes = [1], strides = [1]} : vector<16xi32> to vector<1xi32>
    %squeeze3A_260 = vector.extract %slice3A_259[0] : i32 from vector<1xi32>
    %le3A_261 = arith.cmpi sle, %squeeze3A_260, %sub3A_37 : i32
    %jit3A_262 = arith.constant 1 : i32
    %jit3A_263 = arith.constant 0 : i32
    %select_n3A_264 = arith.select %le3A_261, %jit3A_262, %jit3A_263 : i32
    %add3A_265 = arith.addi %add3A_258, %select_n3A_264 : i32
    %slice3A_266 = vector.extract_strided_slice %get3A_212 {offsets = [7], sizes = [1], strides = [1]} : vector<16xi32> to vector<1xi32>
    %squeeze3A_267 = vector.extract %slice3A_266[0] : i32 from vector<1xi32>
    %le3A_268 = arith.cmpi sle, %squeeze3A_267, %sub3A_37 : i32
    %jit3A_269 = arith.constant 1 : i32
    %jit3A_270 = arith.constant 0 : i32
    %select_n3A_271 = arith.select %le3A_268, %jit3A_269, %jit3A_270 : i32
    %add3A_272 = arith.addi %add3A_265, %select_n3A_271 : i32
    %slice3A_273 = vector.extract_strided_slice %get3A_212 {offsets = [8], sizes = [1], strides = [1]} : vector<16xi32> to vector<1xi32>
    %squeeze3A_274 = vector.extract %slice3A_273[0] : i32 from vector<1xi32>
    %le3A_275 = arith.cmpi sle, %squeeze3A_274, %sub3A_37 : i32
    %jit3A_276 = arith.constant 1 : i32
    %jit3A_277 = arith.constant 0 : i32
    %select_n3A_278 = arith.select %le3A_275, %jit3A_276, %jit3A_277 : i32
    %add3A_279 = arith.addi %add3A_272, %select_n3A_278 : i32
    %slice3A_280 = vector.extract_strided_slice %get3A_212 {offsets = [9], sizes = [1], strides = [1]} : vector<16xi32> to vector<1xi32>
    %squeeze3A_281 = vector.extract %slice3A_280[0] : i32 from vector<1xi32>
    %le3A_282 = arith.cmpi sle, %squeeze3A_281, %sub3A_37 : i32
    %jit3A_283 = arith.constant 1 : i32
    %jit3A_284 = arith.constant 0 : i32
    %select_n3A_285 = arith.select %le3A_282, %jit3A_283, %jit3A_284 : i32
    %add3A_286 = arith.addi %add3A_279, %select_n3A_285 : i32
    %slice3A_287 = vector.extract_strided_slice %get3A_212 {offsets = [10], sizes = [1], strides = [1]} : vector<16xi32> to vector<1xi32>
    %squeeze3A_288 = vector.extract %slice3A_287[0] : i32 from vector<1xi32>
    %le3A_289 = arith.cmpi sle, %squeeze3A_288, %sub3A_37 : i32
    %jit3A_290 = arith.constant 1 : i32
    %jit3A_291 = arith.constant 0 : i32
    %select_n3A_292 = arith.select %le3A_289, %jit3A_290, %jit3A_291 : i32
    %add3A_293 = arith.addi %add3A_286, %select_n3A_292 : i32
    %slice3A_294 = vector.extract_strided_slice %get3A_212 {offsets = [11], sizes = [1], strides = [1]} : vector<16xi32> to vector<1xi32>
    %squeeze3A_295 = vector.extract %slice3A_294[0] : i32 from vector<1xi32>
    %le3A_296 = arith.cmpi sle, %squeeze3A_295, %sub3A_37 : i32
    %jit3A_297 = arith.constant 1 : i32
    %jit3A_298 = arith.constant 0 : i32
    %select_n3A_299 = arith.select %le3A_296, %jit3A_297, %jit3A_298 : i32
    %add3A_300 = arith.addi %add3A_293, %select_n3A_299 : i32
    %slice3A_301 = vector.extract_strided_slice %get3A_212 {offsets = [12], sizes = [1], strides = [1]} : vector<16xi32> to vector<1xi32>
    %squeeze3A_302 = vector.extract %slice3A_301[0] : i32 from vector<1xi32>
    %le3A_303 = arith.cmpi sle, %squeeze3A_302, %sub3A_37 : i32
    %jit3A_304 = arith.constant 1 : i32
    %jit3A_305 = arith.constant 0 : i32
    %select_n3A_306 = arith.select %le3A_303, %jit3A_304, %jit3A_305 : i32
    %add3A_307 = arith.addi %add3A_300, %select_n3A_306 : i32
    %slice3A_308 = vector.extract_strided_slice %get3A_212 {offsets = [13], sizes = [1], strides = [1]} : vector<16xi32> to vector<1xi32>
    %squeeze3A_309 = vector.extract %slice3A_308[0] : i32 from vector<1xi32>
    %le3A_310 = arith.cmpi sle, %squeeze3A_309, %sub3A_37 : i32
    %jit3A_311 = arith.constant 1 : i32
    %jit3A_312 = arith.constant 0 : i32
    %select_n3A_313 = arith.select %le3A_310, %jit3A_311, %jit3A_312 : i32
    %add3A_314 = arith.addi %add3A_307, %select_n3A_313 : i32
    %slice3A_315 = vector.extract_strided_slice %get3A_212 {offsets = [14], sizes = [1], strides = [1]} : vector<16xi32> to vector<1xi32>
    %squeeze3A_316 = vector.extract %slice3A_315[0] : i32 from vector<1xi32>
    %le3A_317 = arith.cmpi sle, %squeeze3A_316, %sub3A_37 : i32
    %jit3A_318 = arith.constant 1 : i32
    %jit3A_319 = arith.constant 0 : i32
    %select_n3A_320 = arith.select %le3A_317, %jit3A_318, %jit3A_319 : i32
    %add3A_321 = arith.addi %add3A_314, %select_n3A_320 : i32
    %slice3A_322 = vector.extract_strided_slice %get3A_212 {offsets = [15], sizes = [1], strides = [1]} : vector<16xi32> to vector<1xi32>
    %squeeze3A_323 = vector.extract %slice3A_322[0] : i32 from vector<1xi32>
    %le3A_324 = arith.cmpi sle, %squeeze3A_323, %sub3A_37 : i32
    %jit3A_325 = arith.constant 1 : i32
    %jit3A_326 = arith.constant 0 : i32
    %select_n3A_327 = arith.select %le3A_324, %jit3A_325, %jit3A_326 : i32
    %add3A_328 = arith.addi %add3A_321, %select_n3A_327 : i32
    %add3A_329 = arith.addi %add3A_215, %add3A_328 : i32
    %scan3A_330 = arith.constant 0 : i32
    %scan3A_331 = arith.constant 41 : i32
    %scan3A_332 = arith.addi %scan3A_330, %scan3A_331 : i32
    %scan3A_333 = arith.constant 1 : i32
    %scan3A_334:2 = scf.for %scan3A_411 = %scan3A_330 to %scan3A_332 step %scan3A_333 iter_args(%scan3A_412 = %add3A_329, %scan3A_413 = %select_n3A_189) -> (i32, i32)  : i32 {
      %mul3A_414 = arith.constant 3 : i32
      %mul3A_415 = arith.muli %mul3A_414, %scan3A_411 : i32
      %mul3A_416 = arith.constant 80 : i32
      %mul3A_417 = arith.muli %mul3A_415, %mul3A_416 : i32
      %add3A_418 = arith.addi %mul3A_2, %mul3A_417 : i32
      %dma_wait3A_419 = arith.constant 0 : i32
      %dma_wait3A_420 = tpu.memref_slice %arg2[%add3A_418, %dma_wait3A_419] : memref<320000x128xf32, #tpu.memory_space<hbm>> -> memref<80x128xf32, #tpu.memory_space<hbm>>
      %dma_wait3A_421 = arith.constant 0 : i32
      %dma_wait3A_422 = tpu.memref_slice %arg2[%add3A_418, %dma_wait3A_421] : memref<320000x128xf32, #tpu.memory_space<hbm>> -> memref<80x128xf32, #tpu.memory_space<hbm>>
      tpu.wait_dma2 semaphore(%arg16 : memref<!tpu.dma_semaphore, #tpu.memory_space<semaphore_mem>>) src(%dma_wait3A_422 : memref<80x128xf32, #tpu.memory_space<hbm>>) dst(%arg8 : memref<80x128xf32, #tpu.memory_space<vmem>>)
      %dma_start3A_423 = arith.constant 0 : i32
      %dma_start3A_424 = tpu.memref_slice %arg11[%mul3A_415, %dma_start3A_423] : memref<125x80xi32, #tpu.memory_space<vmem>> -> memref<1x80xi32, #tpu.memory_space<vmem>>
      %dma_start3A_425 = tpu.memref_squeeze %dma_start3A_424 : memref<1x80xi32, #tpu.memory_space<vmem>> -> memref<80xi32, #tpu.memory_space<vmem>>
      %dma_start3A_426 = arith.constant 0 : i32
      %dma_start3A_427 = arith.constant 0 : i32
      %dma_start3A_428 = tpu.memref_slice %arg15[%dma_start3A_426, %dma_start3A_427] : memref<4096x128xf32, #tpu.memory_space<vmem_shared>> -> memref<4096x128xf32, #tpu.memory_space<vmem_shared>>
      tpu.enqueue_indirect_dma source(%arg8 : memref<80x128xf32, #tpu.memory_space<vmem>>) target(%dma_start3A_428 : memref<4096x128xf32, #tpu.memory_space<vmem_shared>>) offsets(%dma_start3A_425 : memref<80xi32, #tpu.memory_space<vmem>>) semaphore(%arg19 : memref<!tpu.dma_semaphore, #tpu.memory_space<semaphore_mem>>) {add = true}
      %ge3A_429 = arith.constant 1 : i32
      %ge3A_430 = arith.cmpi sge, %mul3A_415, %ge3A_429 : i32
      %convert_element_type3A_431 = arith.extui %ge3A_430 : i1 to i32
      %cond3A_432 = arith.constant 0 : i32
      %cond3A_433 = arith.cmpi ne, %convert_element_type3A_431, %cond3A_432 : i32
      scf.if %cond3A_433 {
        %dma_wait3A_505 = arith.constant 0 : i32
        %dma_wait3A_506 = tpu.memref_slice %arg11[%mul3A_415, %dma_wait3A_505] : memref<125x80xi32, #tpu.memory_space<vmem>> -> memref<1x80xi32, #tpu.memory_space<vmem>>
        %dma_wait3A_507 = tpu.memref_squeeze %dma_wait3A_506 : memref<1x80xi32, #tpu.memory_space<vmem>> -> memref<80xi32, #tpu.memory_space<vmem>>
        %dma_wait3A_508 = arith.constant 0 : i32
        %dma_wait3A_509 = arith.constant 0 : i32
        %dma_wait3A_510 = tpu.memref_slice %arg15[%dma_wait3A_508, %dma_wait3A_509] : memref<4096x128xf32, #tpu.memory_space<vmem_shared>> -> memref<4096x128xf32, #tpu.memory_space<vmem_shared>>
        tpu.wait_indirect_dma semaphore(%arg21 : memref<!tpu.dma_semaphore, #tpu.memory_space<semaphore_mem>>) src(%arg10 : memref<80x128xf32, #tpu.memory_space<vmem>>) dst(%dma_wait3A_510 : memref<4096x128xf32, #tpu.memory_space<vmem_shared>>)
      } else {
      }
      %add3A_434 = arith.constant 2 : i32
      %add3A_435 = arith.addi %mul3A_415, %add3A_434 : i32
      %lt3A_436 = arith.constant 125 : i32
      %lt3A_437 = arith.cmpi slt, %add3A_435, %lt3A_436 : i32
      %convert_element_type3A_438 = arith.extui %lt3A_437 : i1 to i32
      %cond3A_439 = arith.constant 0 : i32
      %cond3A_440 = arith.cmpi ne, %convert_element_type3A_438, %cond3A_439 : i32
      scf.if %cond3A_440 {
        %add3A_505 = arith.constant 2 : i32
        %add3A_506 = arith.addi %mul3A_415, %add3A_505 : i32
        %mul3A_507 = arith.constant 80 : i32
        %mul3A_508 = arith.muli %add3A_506, %mul3A_507 : i32
        %add3A_509 = arith.addi %mul3A_2, %mul3A_508 : i32
        %dma_start3A_510 = arith.constant 0 : i32
        %dma_start3A_511 = tpu.memref_slice %arg2[%add3A_509, %dma_start3A_510] : memref<320000x128xf32, #tpu.memory_space<hbm>> -> memref<80x128xf32, #tpu.memory_space<hbm>>
        %dma_start3A_512 = arith.constant 0 : i32
        %dma_start3A_513 = tpu.memref_slice %arg2[%add3A_509, %dma_start3A_512] : memref<320000x128xf32, #tpu.memory_space<hbm>> -> memref<80x128xf32, #tpu.memory_space<hbm>>
        tpu.enqueue_dma source(%dma_start3A_513 : memref<80x128xf32, #tpu.memory_space<hbm>>) target(%arg10 : memref<80x128xf32, #tpu.memory_space<vmem>>) target_semaphore(%arg18 : memref<!tpu.dma_semaphore, #tpu.memory_space<semaphore_mem>>)
      } else {
      }
      %lt3A_441 = arith.constant 8 : i32
      %lt3A_442 = arith.cmpi slt, %scan3A_411, %lt3A_441 : i32
      %convert_element_type3A_443 = arith.extui %lt3A_442 : i1 to i32
      %cond3A_444 = arith.constant 0 : i32
      %cond3A_445 = arith.cmpi ne, %convert_element_type3A_443, %cond3A_444 : i32
      %cond3A_446:2 = scf.if %cond3A_445 -> (i32, i32) {
        %scan3A_505 = arith.constant 0 : i32
        %scan3A_506 = arith.constant 16 : i32
        %scan3A_507 = arith.addi %scan3A_505, %scan3A_506 : i32
        %scan3A_508 = arith.constant 1 : i32
        %scan3A_509:3 = scf.for %scan3A_516 = %scan3A_505 to %scan3A_507 step %scan3A_508 iter_args(%scan3A_517 = %scan3A_412, %scan3A_518 = %scan3A_413, %scan3A_519 = %broadcast_in_dim3A_3) -> (i32, i32, vector<16xf32>)  : i32 {
          %mul3A_520 = arith.constant 16 : i32
          %mul3A_521 = arith.muli %scan3A_411, %mul3A_520 : i32
          %add3A_522 = arith.addi %mul3A_36, %mul3A_521 : i32
          %add3A_523 = arith.addi %add3A_522, %scan3A_516 : i32
          %scan3A_524 = arith.constant 0 : i32
          %scan3A_525 = arith.constant 320 : i32
          %scan3A_526 = arith.constant 0 : i32
          %scan3A_527 = arith.constant 9 : i32
          %scan3A_528 = arith.addi %scan3A_526, %scan3A_527 : i32
          %scan3A_529 = arith.constant 1 : i32
          %scan3A_530:2 = scf.for %scan3A_837 = %scan3A_526 to %scan3A_528 step %scan3A_529 iter_args(%scan3A_838 = %scan3A_524, %scan3A_839 = %scan3A_525) -> (i32, i32)  : i32 {
            %add3A_840 = arith.addi %scan3A_838, %scan3A_839 : i32
            %jit3A_841 = arith.constant 2 : i32
            %div3A_842 = arith.divsi %add3A_840, %jit3A_841 : i32
            %sign3A_843 = arith.constant 0 : i32
            %sign3A_844 = arith.cmpi sgt, %add3A_840, %sign3A_843 : i32
            %sign3A_845 = arith.extui %sign3A_844 : i1 to i32
            %sign3A_846 = arith.constant 0 : i32
            %sign3A_847 = arith.cmpi slt, %add3A_840, %sign3A_846 : i32
            %sign3A_848 = arith.extui %sign3A_847 : i1 to i32
            %sign3A_849 = arith.subi %sign3A_845, %sign3A_848 : i32
            %sign3A_850 = arith.constant 0 : i32
            %sign3A_851 = arith.cmpi sgt, %jit3A_841, %sign3A_850 : i32
            %sign3A_852 = arith.extui %sign3A_851 : i1 to i32
            %sign3A_853 = arith.constant 0 : i32
            %sign3A_854 = arith.cmpi slt, %jit3A_841, %sign3A_853 : i32
            %sign3A_855 = arith.extui %sign3A_854 : i1 to i32
            %sign3A_856 = arith.subi %sign3A_852, %sign3A_855 : i32
            %ne3A_857 = arith.cmpi ne, %sign3A_849, %sign3A_856 : i32
            %rem3A_858 = arith.remsi %add3A_840, %jit3A_841 : i32
            %ne3A_859 = arith.constant 0 : i32
            %ne3A_860 = arith.cmpi ne, %rem3A_858, %ne3A_859 : i32
            %and3A_861 = arith.andi %ne3A_857, %ne3A_860 : i1
            %sub3A_862 = arith.constant 1 : i32
            %sub3A_863 = arith.subi %div3A_842, %sub3A_862 : i32
            %select_n3A_864 = arith.select %and3A_861, %sub3A_863, %div3A_842 : i32
            %mul3A_865 = arith.constant 8 : i32
            %mul3A_866 = arith.muli %select_n3A_864, %mul3A_865 : i32
            %multiple_of3A_867 = tpu.assume_multiple %mul3A_866, 8 : i32
            %get3A_868 = arith.index_cast %multiple_of3A_867 : i32 to index
            %get3A_869 = tpu.vector_load %arg12[%get3A_868] {strides = array<i32>} : memref<2576xi32, #tpu.memory_space<vmem>>, vector<16xi32>,
            %get3A_870 = vector.shape_cast %get3A_869 : vector<16xi32> to vector<16xi32>
            %slice3A_871 = vector.extract_strided_slice %get3A_870 {offsets = [0], sizes = [1], strides = [1]} : vector<16xi32> to vector<1xi32>
            %squeeze3A_872 = vector.extract %slice3A_871[0] : i32 from vector<1xi32>
            %le3A_873 = arith.cmpi sle, %squeeze3A_872, %add3A_523 : i32
            %add3A_874 = arith.constant 1 : i32
            %add3A_875 = arith.addi %select_n3A_864, %add3A_874 : i32
            %select_n3A_876 = arith.select %le3A_873, %add3A_875, %scan3A_838 : i32
            %select_n3A_877 = arith.select %le3A_873, %scan3A_839, %select_n3A_864 : i32
            %lt3A_878 = arith.cmpi slt, %scan3A_838, %scan3A_839 : i32
            %select_n3A_879 = arith.select %lt3A_878, %select_n3A_876, %scan3A_838 : i32
            %select_n3A_880 = arith.select %lt3A_878, %select_n3A_877, %scan3A_839 : i32
            scf.yield %select_n3A_879, %select_n3A_880 : i32, i32
          }
          %scan3A_531 = arith.constant 9 : i32
          %sub3A_532 = arith.constant 1 : i32
          %sub3A_533 = arith.subi %scan3A_530#0, %sub3A_532 : i32
          %mul3A_534 = arith.constant 8 : i32
          %mul3A_535 = arith.muli %mul3A_534, %sub3A_533 : i32
          %max3A_536 = arith.constant 0 : i32
          %max3A_537 = arith.maxsi %mul3A_535, %max3A_536 : i32
          %multiple_of3A_538 = tpu.assume_multiple %max3A_537, 8 : i32
          %get3A_539 = arith.index_cast %multiple_of3A_538 : i32 to index
          %get3A_540 = tpu.vector_load %arg12[%get3A_539] {strides = array<i32>} : memref<2576xi32, #tpu.memory_space<vmem>>, vector<16xi32>,
          %get3A_541 = vector.shape_cast %get3A_540 : vector<16xi32> to vector<16xi32>
          %slice3A_542 = vector.extract_strided_slice %get3A_541 {offsets = [0], sizes = [1], strides = [1]} : vector<16xi32> to vector<1xi32>
          %squeeze3A_543 = vector.extract %slice3A_542[0] : i32 from vector<1xi32>
          %le3A_544 = arith.cmpi sle, %squeeze3A_543, %add3A_523 : i32
          %jit3A_545 = arith.constant 1 : i32
          %jit3A_546 = arith.constant 0 : i32
          %select_n3A_547 = arith.select %le3A_544, %jit3A_545, %jit3A_546 : i32
          %add3A_548 = arith.constant 0 : i32
          %add3A_549 = arith.addi %add3A_548, %select_n3A_547 : i32
          %slice3A_550 = vector.extract_strided_slice %get3A_541 {offsets = [1], sizes = [1], strides = [1]} : vector<16xi32> to vector<1xi32>
          %squeeze3A_551 = vector.extract %slice3A_550[0] : i32 from vector<1xi32>
          %le3A_552 = arith.cmpi sle, %squeeze3A_551, %add3A_523 : i32
          %jit3A_553 = arith.constant 1 : i32
          %jit3A_554 = arith.constant 0 : i32
          %select_n3A_555 = arith.select %le3A_552, %jit3A_553, %jit3A_554 : i32
          %add3A_556 = arith.addi %add3A_549, %select_n3A_555 : i32
          %slice3A_557 = vector.extract_strided_slice %get3A_541 {offsets = [2], sizes = [1], strides = [1]} : vector<16xi32> to vector<1xi32>
          %squeeze3A_558 = vector.extract %slice3A_557[0] : i32 from vector<1xi32>
          %le3A_559 = arith.cmpi sle, %squeeze3A_558, %add3A_523 : i32
          %jit3A_560 = arith.constant 1 : i32
          %jit3A_561 = arith.constant 0 : i32
          %select_n3A_562 = arith.select %le3A_559, %jit3A_560, %jit3A_561 : i32
          %add3A_563 = arith.addi %add3A_556, %select_n3A_562 : i32
          %slice3A_564 = vector.extract_strided_slice %get3A_541 {offsets = [3], sizes = [1], strides = [1]} : vector<16xi32> to vector<1xi32>
          %squeeze3A_565 = vector.extract %slice3A_564[0] : i32 from vector<1xi32>
          %le3A_566 = arith.cmpi sle, %squeeze3A_565, %add3A_523 : i32
          %jit3A_567 = arith.constant 1 : i32
          %jit3A_568 = arith.constant 0 : i32
          %select_n3A_569 = arith.select %le3A_566, %jit3A_567, %jit3A_568 : i32
          %add3A_570 = arith.addi %add3A_563, %select_n3A_569 : i32
          %slice3A_571 = vector.extract_strided_slice %get3A_541 {offsets = [4], sizes = [1], strides = [1]} : vector<16xi32> to vector<1xi32>
          %squeeze3A_572 = vector.extract %slice3A_571[0] : i32 from vector<1xi32>
          %le3A_573 = arith.cmpi sle, %squeeze3A_572, %add3A_523 : i32
          %jit3A_574 = arith.constant 1 : i32
          %jit3A_575 = arith.constant 0 : i32
          %select_n3A_576 = arith.select %le3A_573, %jit3A_574, %jit3A_575 : i32
          %add3A_577 = arith.addi %add3A_570, %select_n3A_576 : i32
          %slice3A_578 = vector.extract_strided_slice %get3A_541 {offsets = [5], sizes = [1], strides = [1]} : vector<16xi32> to vector<1xi32>
          %squeeze3A_579 = vector.extract %slice3A_578[0] : i32 from vector<1xi32>
          %le3A_580 = arith.cmpi sle, %squeeze3A_579, %add3A_523 : i32
          %jit3A_581 = arith.constant 1 : i32
          %jit3A_582 = arith.constant 0 : i32
          %select_n3A_583 = arith.select %le3A_580, %jit3A_581, %jit3A_582 : i32
          %add3A_584 = arith.addi %add3A_577, %select_n3A_583 : i32
          %slice3A_585 = vector.extract_strided_slice %get3A_541 {offsets = [6], sizes = [1], strides = [1]} : vector<16xi32> to vector<1xi32>
          %squeeze3A_586 = vector.extract %slice3A_585[0] : i32 from vector<1xi32>
          %le3A_587 = arith.cmpi sle, %squeeze3A_586, %add3A_523 : i32
          %jit3A_588 = arith.constant 1 : i32
          %jit3A_589 = arith.constant 0 : i32
          %select_n3A_590 = arith.select %le3A_587, %jit3A_588, %jit3A_589 : i32
          %add3A_591 = arith.addi %add3A_584, %select_n3A_590 : i32
          %slice3A_592 = vector.extract_strided_slice %get3A_541 {offsets = [7], sizes = [1], strides = [1]} : vector<16xi32> to vector<1xi32>
          %squeeze3A_593 = vector.extract %slice3A_592[0] : i32 from vector<1xi32>
          %le3A_594 = arith.cmpi sle, %squeeze3A_593, %add3A_523 : i32
          %jit3A_595 = arith.constant 1 : i32
          %jit3A_596 = arith.constant 0 : i32
          %select_n3A_597 = arith.select %le3A_594, %jit3A_595, %jit3A_596 : i32
          %add3A_598 = arith.addi %add3A_591, %select_n3A_597 : i32
          %slice3A_599 = vector.extract_strided_slice %get3A_541 {offsets = [8], sizes = [1], strides = [1]} : vector<16xi32> to vector<1xi32>
          %squeeze3A_600 = vector.extract %slice3A_599[0] : i32 from vector<1xi32>
          %le3A_601 = arith.cmpi sle, %squeeze3A_600, %add3A_523 : i32
          %jit3A_602 = arith.constant 1 : i32
          %jit3A_603 = arith.constant 0 : i32
          %select_n3A_604 = arith.select %le3A_601, %jit3A_602, %jit3A_603 : i32
          %add3A_605 = arith.addi %add3A_598, %select_n3A_604 : i32
          %slice3A_606 = vector.extract_strided_slice %get3A_541 {offsets = [9], sizes = [1], strides = [1]} : vector<16xi32> to vector<1xi32>
          %squeeze3A_607 = vector.extract %slice3A_606[0] : i32 from vector<1xi32>
          %le3A_608 = arith.cmpi sle, %squeeze3A_607, %add3A_523 : i32
          %jit3A_609 = arith.constant 1 : i32
          %jit3A_610 = arith.constant 0 : i32
          %select_n3A_611 = arith.select %le3A_608, %jit3A_609, %jit3A_610 : i32
          %add3A_612 = arith.addi %add3A_605, %select_n3A_611 : i32
          %slice3A_613 = vector.extract_strided_slice %get3A_541 {offsets = [10], sizes = [1], strides = [1]} : vector<16xi32> to vector<1xi32>
          %squeeze3A_614 = vector.extract %slice3A_613[0] : i32 from vector<1xi32>
          %le3A_615 = arith.cmpi sle, %squeeze3A_614, %add3A_523 : i32
          %jit3A_616 = arith.constant 1 : i32
          %jit3A_617 = arith.constant 0 : i32
          %select_n3A_618 = arith.select %le3A_615, %jit3A_616, %jit3A_617 : i32
          %add3A_619 = arith.addi %add3A_612, %select_n3A_618 : i32
          %slice3A_620 = vector.extract_strided_slice %get3A_541 {offsets = [11], sizes = [1], strides = [1]} : vector<16xi32> to vector<1xi32>
          %squeeze3A_621 = vector.extract %slice3A_620[0] : i32 from vector<1xi32>
          %le3A_622 = arith.cmpi sle, %squeeze3A_621, %add3A_523 : i32
          %jit3A_623 = arith.constant 1 : i32
          %jit3A_624 = arith.constant 0 : i32
          %select_n3A_625 = arith.select %le3A_622, %jit3A_623, %jit3A_624 : i32
          %add3A_626 = arith.addi %add3A_619, %select_n3A_625 : i32
          %slice3A_627 = vector.extract_strided_slice %get3A_541 {offsets = [12], sizes = [1], strides = [1]} : vector<16xi32> to vector<1xi32>
          %squeeze3A_628 = vector.extract %slice3A_627[0] : i32 from vector<1xi32>
          %le3A_629 = arith.cmpi sle, %squeeze3A_628, %add3A_523 : i32
          %jit3A_630 = arith.constant 1 : i32
          %jit3A_631 = arith.constant 0 : i32
          %select_n3A_632 = arith.select %le3A_629, %jit3A_630, %jit3A_631 : i32
          %add3A_633 = arith.addi %add3A_626, %select_n3A_632 : i32
          %slice3A_634 = vector.extract_strided_slice %get3A_541 {offsets = [13], sizes = [1], strides = [1]} : vector<16xi32> to vector<1xi32>
          %squeeze3A_635 = vector.extract %slice3A_634[0] : i32 from vector<1xi32>
          %le3A_636 = arith.cmpi sle, %squeeze3A_635, %add3A_523 : i32
          %jit3A_637 = arith.constant 1 : i32
          %jit3A_638 = arith.constant 0 : i32
          %select_n3A_639 = arith.select %le3A_636, %jit3A_637, %jit3A_638 : i32
          %add3A_640 = arith.addi %add3A_633, %select_n3A_639 : i32
          %slice3A_641 = vector.extract_strided_slice %get3A_541 {offsets = [14], sizes = [1], strides = [1]} : vector<16xi32> to vector<1xi32>
          %squeeze3A_642 = vector.extract %slice3A_641[0] : i32 from vector<1xi32>
          %le3A_643 = arith.cmpi sle, %squeeze3A_642, %add3A_523 : i32
          %jit3A_644 = arith.constant 1 : i32
          %jit3A_645 = arith.constant 0 : i32
          %select_n3A_646 = arith.select %le3A_643, %jit3A_644, %jit3A_645 : i32
          %add3A_647 = arith.addi %add3A_640, %select_n3A_646 : i32
          %slice3A_648 = vector.extract_strided_slice %get3A_541 {offsets = [15], sizes = [1], strides = [1]} : vector<16xi32> to vector<1xi32>
          %squeeze3A_649 = vector.extract %slice3A_648[0] : i32 from vector<1xi32>
          %le3A_650 = arith.cmpi sle, %squeeze3A_649, %add3A_523 : i32
          %jit3A_651 = arith.constant 1 : i32
          %jit3A_652 = arith.constant 0 : i32
          %select_n3A_653 = arith.select %le3A_650, %jit3A_651, %jit3A_652 : i32
          %add3A_654 = arith.addi %add3A_647, %select_n3A_653 : i32
          %add3A_655 = arith.addi %max3A_537, %add3A_654 : i32
          %lt3A_656 = arith.cmpi slt, %add3A_655, %scan3A_518 : i32
          %add3A_657 = arith.constant 128 : i32
          %add3A_658 = arith.addi %scan3A_518, %add3A_657 : i32
          %ge3A_659 = arith.cmpi sge, %add3A_655, %add3A_658 : i32
          %or3A_660 = arith.ori %lt3A_656, %ge3A_659 : i1
          %jit3A_661 = arith.constant 8 : i32
          %div3A_662 = arith.divsi %add3A_655, %jit3A_661 : i32
          %sign3A_663 = arith.constant 0 : i32
          %sign3A_664 = arith.cmpi sgt, %add3A_655, %sign3A_663 : i32
          %sign3A_665 = arith.extui %sign3A_664 : i1 to i32
          %sign3A_666 = arith.constant 0 : i32
          %sign3A_667 = arith.cmpi slt, %add3A_655, %sign3A_666 : i32
          %sign3A_668 = arith.extui %sign3A_667 : i1 to i32
          %sign3A_669 = arith.subi %sign3A_665, %sign3A_668 : i32
          %sign3A_670 = arith.constant 0 : i32
          %sign3A_671 = arith.cmpi sgt, %jit3A_661, %sign3A_670 : i32
          %sign3A_672 = arith.extui %sign3A_671 : i1 to i32
          %sign3A_673 = arith.constant 0 : i32
          %sign3A_674 = arith.cmpi slt, %jit3A_661, %sign3A_673 : i32
          %sign3A_675 = arith.extui %sign3A_674 : i1 to i32
          %sign3A_676 = arith.subi %sign3A_672, %sign3A_675 : i32
          %ne3A_677 = arith.cmpi ne, %sign3A_669, %sign3A_676 : i32
          %rem3A_678 = arith.remsi %add3A_655, %jit3A_661 : i32
          %ne3A_679 = arith.constant 0 : i32
          %ne3A_680 = arith.cmpi ne, %rem3A_678, %ne3A_679 : i32
          %and3A_681 = arith.andi %ne3A_677, %ne3A_680 : i1
          %sub3A_682 = arith.constant 1 : i32
          %sub3A_683 = arith.subi %div3A_662, %sub3A_682 : i32
          %select_n3A_684 = arith.select %and3A_681, %sub3A_683, %div3A_662 : i32
          %mul3A_685 = arith.constant 8 : i32
          %mul3A_686 = arith.muli %select_n3A_684, %mul3A_685 : i32
          %min3A_687 = arith.constant 2432 : i32
          %min3A_688 = arith.minsi %mul3A_686, %min3A_687 : i32
          %select_n3A_689 = arith.select %or3A_660, %min3A_688, %scan3A_518 : i32
          %convert_element_type3A_690 = arith.extui %or3A_660 : i1 to i32
          %cond3A_691 = arith.constant 0 : i32
          %cond3A_692 = arith.cmpi ne, %convert_element_type3A_690, %cond3A_691 : i32
          scf.if %cond3A_692 {
            %multiple_of3A_837 = tpu.assume_multiple %select_n3A_689, 8 : i32
            "tpu.region"() ({
              %run_scoped3A = tpu.sem_alloc : memref<!tpu.dma_semaphore, #tpu.memory_space<semaphore_mem>>
              %dma_start3A_838 = arith.constant 0 : i32
              %dma_start3A_839 = tpu.memref_slice %arg4[%multiple_of3A_837, %dma_start3A_838] : memref<2560x128xi32, #tpu.memory_space<hbm>> -> memref<128x128xi32, #tpu.memory_space<hbm>>
              %dma_start3A_840 = arith.constant 0 : i32
              %dma_start3A_841 = tpu.memref_slice %arg4[%multiple_of3A_837, %dma_start3A_840] : memref<2560x128xi32, #tpu.memory_space<hbm>> -> memref<128x128xi32, #tpu.memory_space<hbm>>
              tpu.enqueue_dma source(%dma_start3A_841 : memref<128x128xi32, #tpu.memory_space<hbm>>) target(%arg13 : memref<128x128xi32, #tpu.memory_space<vmem>>) target_semaphore(%run_scoped3A : memref<!tpu.dma_semaphore, #tpu.memory_space<semaphore_mem>>)
              %dma_wait3A_842 = arith.constant 0 : i32
              %dma_wait3A_843 = tpu.memref_slice %arg4[%multiple_of3A_837, %dma_wait3A_842] : memref<2560x128xi32, #tpu.memory_space<hbm>> -> memref<128x128xi32, #tpu.memory_space<hbm>>
              %dma_wait3A_844 = arith.constant 0 : i32
              %dma_wait3A_845 = tpu.memref_slice %arg4[%multiple_of3A_837, %dma_wait3A_844] : memref<2560x128xi32, #tpu.memory_space<hbm>> -> memref<128x128xi32, #tpu.memory_space<hbm>>
              tpu.wait_dma2 semaphore(%run_scoped3A : memref<!tpu.dma_semaphore, #tpu.memory_space<semaphore_mem>>) src(%dma_wait3A_845 : memref<128x128xi32, #tpu.memory_space<hbm>>) dst(%arg13 : memref<128x128xi32, #tpu.memory_space<vmem>>)
              tpu.yield
            }) : () -> ()
          } else {
          }
          %sub3A_693 = arith.subi %add3A_655, %select_n3A_689 : i32
          %scan3A_694 = arith.constant 0 : i32
          %scan3A_695 = arith.constant 15 : i32
          %scan3A_696 = arith.constant 0 : i32
          %scan3A_697 = arith.constant 4 : i32
          %scan3A_698 = arith.addi %scan3A_696, %scan3A_697 : i32
          %scan3A_699 = arith.constant 1 : i32
          %scan3A_700:2 = scf.for %scan3A_837 = %scan3A_696 to %scan3A_698 step %scan3A_699 iter_args(%scan3A_838 = %scan3A_694, %scan3A_839 = %scan3A_695) -> (i32, i32)  : i32 {
            %add3A_840 = arith.addi %scan3A_838, %scan3A_839 : i32
            %jit3A_841 = arith.constant 2 : i32
            %div3A_842 = arith.divsi %add3A_840, %jit3A_841 : i32
            %sign3A_843 = arith.constant 0 : i32
            %sign3A_844 = arith.cmpi sgt, %add3A_840, %sign3A_843 : i32
            %sign3A_845 = arith.extui %sign3A_844 : i1 to i32
            %sign3A_846 = arith.constant 0 : i32
            %sign3A_847 = arith.cmpi slt, %add3A_840, %sign3A_846 : i32
            %sign3A_848 = arith.extui %sign3A_847 : i1 to i32
            %sign3A_849 = arith.subi %sign3A_845, %sign3A_848 : i32
            %sign3A_850 = arith.constant 0 : i32
            %sign3A_851 = arith.cmpi sgt, %jit3A_841, %sign3A_850 : i32
            %sign3A_852 = arith.extui %sign3A_851 : i1 to i32
            %sign3A_853 = arith.constant 0 : i32
            %sign3A_854 = arith.cmpi slt, %jit3A_841, %sign3A_853 : i32
            %sign3A_855 = arith.extui %sign3A_854 : i1 to i32
            %sign3A_856 = arith.subi %sign3A_852, %sign3A_855 : i32
            %ne3A_857 = arith.cmpi ne, %sign3A_849, %sign3A_856 : i32
            %rem3A_858 = arith.remsi %add3A_840, %jit3A_841 : i32
            %ne3A_859 = arith.constant 0 : i32
            %ne3A_860 = arith.cmpi ne, %rem3A_858, %ne3A_859 : i32
            %and3A_861 = arith.andi %ne3A_857, %ne3A_860 : i1
            %sub3A_862 = arith.constant 1 : i32
            %sub3A_863 = arith.subi %div3A_842, %sub3A_862 : i32
            %select_n3A_864 = arith.select %and3A_861, %sub3A_863, %div3A_842 : i32
            %mul3A_865 = arith.constant 8 : i32
            %mul3A_866 = arith.muli %select_n3A_864, %mul3A_865 : i32
            %multiple_of3A_867 = tpu.assume_multiple %mul3A_866, 8 : i32
            %get3A_868 = arith.index_cast %sub3A_693 : i32 to index
            %get3A_869 = arith.index_cast %multiple_of3A_867 : i32 to index
            %get3A_870 = tpu.vector_load %arg13[%get3A_868, %get3A_869] {strides = array<i32>} : memref<128x128xi32, #tpu.memory_space<vmem>>, vector<1x16xi32>,
            %get3A_871 = vector.shape_cast %get3A_870 : vector<1x16xi32> to vector<16xi32>
            %slice3A_872 = vector.extract_strided_slice %get3A_871 {offsets = [0], sizes = [1], strides = [1]} : vector<16xi32> to vector<1xi32>
            %squeeze3A_873 = vector.extract %slice3A_872[0] : i32 from vector<1xi32>
            %le3A_874 = arith.cmpi sle, %squeeze3A_873, %add3A_523 : i32
            %add3A_875 = arith.constant 1 : i32
            %add3A_876 = arith.addi %select_n3A_864, %add3A_875 : i32
            %select_n3A_877 = arith.select %le3A_874, %add3A_876, %scan3A_838 : i32
            %select_n3A_878 = arith.select %le3A_874, %scan3A_839, %select_n3A_864 : i32
            %lt3A_879 = arith.cmpi slt, %scan3A_838, %scan3A_839 : i32
            %select_n3A_880 = arith.select %lt3A_879, %select_n3A_877, %scan3A_838 : i32
            %select_n3A_881 = arith.select %lt3A_879, %select_n3A_878, %scan3A_839 : i32
            scf.yield %select_n3A_880, %select_n3A_881 : i32, i32
          }
          %scan3A_701 = arith.constant 4 : i32
          %sub3A_702 = arith.constant 1 : i32
          %sub3A_703 = arith.subi %scan3A_700#0, %sub3A_702 : i32
          %mul3A_704 = arith.constant 8 : i32
          %mul3A_705 = arith.muli %mul3A_704, %sub3A_703 : i32
          %jit3A_706 = arith.constant 0 : i32
          %jit3A_707 = arith.constant 112 : i32
          %max3A_708 = arith.maxsi %jit3A_706, %mul3A_705 : i32
          %min3A_709 = arith.minsi %jit3A_707, %max3A_708 : i32
          %multiple_of3A_710 = tpu.assume_multiple %min3A_709, 8 : i32
          %get3A_711 = arith.index_cast %sub3A_693 : i32 to index
          %get3A_712 = arith.index_cast %multiple_of3A_710 : i32 to index
          %get3A_713 = tpu.vector_load %arg13[%get3A_711, %get3A_712] {strides = array<i32>} : memref<128x128xi32, #tpu.memory_space<vmem>>, vector<1x16xi32>,
          %get3A_714 = vector.shape_cast %get3A_713 : vector<1x16xi32> to vector<16xi32>
          %mul3A_715 = arith.constant 128 : i32
          %mul3A_716 = arith.muli %add3A_655, %mul3A_715 : i32
          %add3A_717 = arith.addi %mul3A_716, %min3A_709 : i32
          %slice3A_718 = vector.extract_strided_slice %get3A_714 {offsets = [0], sizes = [1], strides = [1]} : vector<16xi32> to vector<1xi32>
          %squeeze3A_719 = vector.extract %slice3A_718[0] : i32 from vector<1xi32>
          %le3A_720 = arith.cmpi sle, %squeeze3A_719, %add3A_523 : i32
          %jit3A_721 = arith.constant 1 : i32
          %jit3A_722 = arith.constant 0 : i32
          %select_n3A_723 = arith.select %le3A_720, %jit3A_721, %jit3A_722 : i32
          %add3A_724 = arith.constant 0 : i32
          %add3A_725 = arith.addi %add3A_724, %select_n3A_723 : i32
          %slice3A_726 = vector.extract_strided_slice %get3A_714 {offsets = [1], sizes = [1], strides = [1]} : vector<16xi32> to vector<1xi32>
          %squeeze3A_727 = vector.extract %slice3A_726[0] : i32 from vector<1xi32>
          %le3A_728 = arith.cmpi sle, %squeeze3A_727, %add3A_523 : i32
          %jit3A_729 = arith.constant 1 : i32
          %jit3A_730 = arith.constant 0 : i32
          %select_n3A_731 = arith.select %le3A_728, %jit3A_729, %jit3A_730 : i32
          %add3A_732 = arith.addi %add3A_725, %select_n3A_731 : i32
          %slice3A_733 = vector.extract_strided_slice %get3A_714 {offsets = [2], sizes = [1], strides = [1]} : vector<16xi32> to vector<1xi32>
          %squeeze3A_734 = vector.extract %slice3A_733[0] : i32 from vector<1xi32>
          %le3A_735 = arith.cmpi sle, %squeeze3A_734, %add3A_523 : i32
          %jit3A_736 = arith.constant 1 : i32
          %jit3A_737 = arith.constant 0 : i32
          %select_n3A_738 = arith.select %le3A_735, %jit3A_736, %jit3A_737 : i32
          %add3A_739 = arith.addi %add3A_732, %select_n3A_738 : i32
          %slice3A_740 = vector.extract_strided_slice %get3A_714 {offsets = [3], sizes = [1], strides = [1]} : vector<16xi32> to vector<1xi32>
          %squeeze3A_741 = vector.extract %slice3A_740[0] : i32 from vector<1xi32>
          %le3A_742 = arith.cmpi sle, %squeeze3A_741, %add3A_523 : i32
          %jit3A_743 = arith.constant 1 : i32
          %jit3A_744 = arith.constant 0 : i32
          %select_n3A_745 = arith.select %le3A_742, %jit3A_743, %jit3A_744 : i32
          %add3A_746 = arith.addi %add3A_739, %select_n3A_745 : i32
          %slice3A_747 = vector.extract_strided_slice %get3A_714 {offsets = [4], sizes = [1], strides = [1]} : vector<16xi32> to vector<1xi32>
          %squeeze3A_748 = vector.extract %slice3A_747[0] : i32 from vector<1xi32>
          %le3A_749 = arith.cmpi sle, %squeeze3A_748, %add3A_523 : i32
          %jit3A_750 = arith.constant 1 : i32
          %jit3A_751 = arith.constant 0 : i32
          %select_n3A_752 = arith.select %le3A_749, %jit3A_750, %jit3A_751 : i32
          %add3A_753 = arith.addi %add3A_746, %select_n3A_752 : i32
          %slice3A_754 = vector.extract_strided_slice %get3A_714 {offsets = [5], sizes = [1], strides = [1]} : vector<16xi32> to vector<1xi32>
          %squeeze3A_755 = vector.extract %slice3A_754[0] : i32 from vector<1xi32>
          %le3A_756 = arith.cmpi sle, %squeeze3A_755, %add3A_523 : i32
          %jit3A_757 = arith.constant 1 : i32
          %jit3A_758 = arith.constant 0 : i32
          %select_n3A_759 = arith.select %le3A_756, %jit3A_757, %jit3A_758 : i32
          %add3A_760 = arith.addi %add3A_753, %select_n3A_759 : i32
          %slice3A_761 = vector.extract_strided_slice %get3A_714 {offsets = [6], sizes = [1], strides = [1]} : vector<16xi32> to vector<1xi32>
          %squeeze3A_762 = vector.extract %slice3A_761[0] : i32 from vector<1xi32>
          %le3A_763 = arith.cmpi sle, %squeeze3A_762, %add3A_523 : i32
          %jit3A_764 = arith.constant 1 : i32
          %jit3A_765 = arith.constant 0 : i32
          %select_n3A_766 = arith.select %le3A_763, %jit3A_764, %jit3A_765 : i32
          %add3A_767 = arith.addi %add3A_760, %select_n3A_766 : i32
          %slice3A_768 = vector.extract_strided_slice %get3A_714 {offsets = [7], sizes = [1], strides = [1]} : vector<16xi32> to vector<1xi32>
          %squeeze3A_769 = vector.extract %slice3A_768[0] : i32 from vector<1xi32>
          %le3A_770 = arith.cmpi sle, %squeeze3A_769, %add3A_523 : i32
          %jit3A_771 = arith.constant 1 : i32
          %jit3A_772 = arith.constant 0 : i32
          %select_n3A_773 = arith.select %le3A_770, %jit3A_771, %jit3A_772 : i32
          %add3A_774 = arith.addi %add3A_767, %select_n3A_773 : i32
          %slice3A_775 = vector.extract_strided_slice %get3A_714 {offsets = [8], sizes = [1], strides = [1]} : vector<16xi32> to vector<1xi32>
          %squeeze3A_776 = vector.extract %slice3A_775[0] : i32 from vector<1xi32>
          %le3A_777 = arith.cmpi sle, %squeeze3A_776, %add3A_523 : i32
          %jit3A_778 = arith.constant 1 : i32
          %jit3A_779 = arith.constant 0 : i32
          %select_n3A_780 = arith.select %le3A_777, %jit3A_778, %jit3A_779 : i32
          %add3A_781 = arith.addi %add3A_774, %select_n3A_780 : i32
          %slice3A_782 = vector.extract_strided_slice %get3A_714 {offsets = [9], sizes = [1], strides = [1]} : vector<16xi32> to vector<1xi32>
          %squeeze3A_783 = vector.extract %slice3A_782[0] : i32 from vector<1xi32>
          %le3A_784 = arith.cmpi sle, %squeeze3A_783, %add3A_523 : i32
          %jit3A_785 = arith.constant 1 : i32
          %jit3A_786 = arith.constant 0 : i32
          %select_n3A_787 = arith.select %le3A_784, %jit3A_785, %jit3A_786 : i32
          %add3A_788 = arith.addi %add3A_781, %select_n3A_787 : i32
          %slice3A_789 = vector.extract_strided_slice %get3A_714 {offsets = [10], sizes = [1], strides = [1]} : vector<16xi32> to vector<1xi32>
          %squeeze3A_790 = vector.extract %slice3A_789[0] : i32 from vector<1xi32>
          %le3A_791 = arith.cmpi sle, %squeeze3A_790, %add3A_523 : i32
          %jit3A_792 = arith.constant 1 : i32
          %jit3A_793 = arith.constant 0 : i32
          %select_n3A_794 = arith.select %le3A_791, %jit3A_792, %jit3A_793 : i32
          %add3A_795 = arith.addi %add3A_788, %select_n3A_794 : i32
          %slice3A_796 = vector.extract_strided_slice %get3A_714 {offsets = [11], sizes = [1], strides = [1]} : vector<16xi32> to vector<1xi32>
          %squeeze3A_797 = vector.extract %slice3A_796[0] : i32 from vector<1xi32>
          %le3A_798 = arith.cmpi sle, %squeeze3A_797, %add3A_523 : i32
          %jit3A_799 = arith.constant 1 : i32
          %jit3A_800 = arith.constant 0 : i32
          %select_n3A_801 = arith.select %le3A_798, %jit3A_799, %jit3A_800 : i32
          %add3A_802 = arith.addi %add3A_795, %select_n3A_801 : i32
          %slice3A_803 = vector.extract_strided_slice %get3A_714 {offsets = [12], sizes = [1], strides = [1]} : vector<16xi32> to vector<1xi32>
          %squeeze3A_804 = vector.extract %slice3A_803[0] : i32 from vector<1xi32>
          %le3A_805 = arith.cmpi sle, %squeeze3A_804, %add3A_523 : i32
          %jit3A_806 = arith.constant 1 : i32
          %jit3A_807 = arith.constant 0 : i32
          %select_n3A_808 = arith.select %le3A_805, %jit3A_806, %jit3A_807 : i32
          %add3A_809 = arith.addi %add3A_802, %select_n3A_808 : i32
          %slice3A_810 = vector.extract_strided_slice %get3A_714 {offsets = [13], sizes = [1], strides = [1]} : vector<16xi32> to vector<1xi32>
          %squeeze3A_811 = vector.extract %slice3A_810[0] : i32 from vector<1xi32>
          %le3A_812 = arith.cmpi sle, %squeeze3A_811, %add3A_523 : i32
          %jit3A_813 = arith.constant 1 : i32
          %jit3A_814 = arith.constant 0 : i32
          %select_n3A_815 = arith.select %le3A_812, %jit3A_813, %jit3A_814 : i32
          %add3A_816 = arith.addi %add3A_809, %select_n3A_815 : i32
          %slice3A_817 = vector.extract_strided_slice %get3A_714 {offsets = [14], sizes = [1], strides = [1]} : vector<16xi32> to vector<1xi32>
          %squeeze3A_818 = vector.extract %slice3A_817[0] : i32 from vector<1xi32>
          %le3A_819 = arith.cmpi sle, %squeeze3A_818, %add3A_523 : i32
          %jit3A_820 = arith.constant 1 : i32
          %jit3A_821 = arith.constant 0 : i32
          %select_n3A_822 = arith.select %le3A_819, %jit3A_820, %jit3A_821 : i32
          %add3A_823 = arith.addi %add3A_816, %select_n3A_822 : i32
          %slice3A_824 = vector.extract_strided_slice %get3A_714 {offsets = [15], sizes = [1], strides = [1]} : vector<16xi32> to vector<1xi32>
          %squeeze3A_825 = vector.extract %slice3A_824[0] : i32 from vector<1xi32>
          %le3A_826 = arith.cmpi sle, %squeeze3A_825, %add3A_523 : i32
          %jit3A_827 = arith.constant 1 : i32
          %jit3A_828 = arith.constant 0 : i32
          %select_n3A_829 = arith.select %le3A_826, %jit3A_827, %jit3A_828 : i32
          %add3A_830 = arith.addi %add3A_823, %select_n3A_829 : i32
          %add3A_831 = arith.addi %add3A_717, %add3A_830 : i32
          %sub3A_832 = arith.subi %add3A_831, %scan3A_517 : i32
          %convert_element_type3A_833 = arith.sitofp %sub3A_832 : i32 to f32
          %eq3A = vector.broadcast %scan3A_516 : i32 to vector<16xi32>
          %eq3A_834 = arith.cmpi eq, %iota3A, %eq3A : vector<16xi32>
          %broadcast_in_dim3A_835 = vector.broadcast %convert_element_type3A_833 : f32 to vector<16xf32>
          %select_n3A_836 = arith.select %eq3A_834, %broadcast_in_dim3A_835, %scan3A_519 : vector<16xi1>, vector<16xf32>
          scf.yield %add3A_831, %select_n3A_689, %select_n3A_836 : i32, i32, vector<16xf32>
        }
        %scan3A_510 = arith.constant 16 : i32
        %mul3A_511 = arith.constant 16 : i32
        %mul3A_512 = arith.muli %scan3A_411, %mul3A_511 : i32
        %swap3A = arith.index_cast %mul3A_512 : i32 to index
        %swap3A_513 = tpu.vector_load %arg14[%swap3A] {strides = array<i32>} : memref<128xf32, #tpu.memory_space<vmem>>, vector<16xf32>,
        %swap3A_514 = vector.shape_cast %swap3A_513 : vector<16xf32> to vector<16xf32>
        %swap3A_515 = vector.shape_cast %scan3A_509#2 : vector<16xf32> to vector<16xf32>
        tpu.vector_store %arg14[%swap3A], %swap3A_515 {strides = array<i32>} : memref<128xf32, #tpu.memory_space<vmem>>, vector<16xf32>,
        scf.yield %scan3A_509#0, %scan3A_509#1 : i32, i32
      } else {
        scf.yield %scan3A_412, %scan3A_413 : i32, i32
      }
      %mul3A_447 = arith.constant 3 : i32
      %mul3A_448 = arith.muli %mul3A_447, %scan3A_411 : i32
      %add3A_449 = arith.constant 1 : i32
      %add3A_450 = arith.addi %mul3A_448, %add3A_449 : i32
      %mul3A_451 = arith.constant 80 : i32
      %mul3A_452 = arith.muli %add3A_450, %mul3A_451 : i32
      %add3A_453 = arith.addi %mul3A_2, %mul3A_452 : i32
      %dma_wait3A_454 = arith.constant 0 : i32
      %dma_wait3A_455 = tpu.memref_slice %arg2[%add3A_453, %dma_wait3A_454] : memref<320000x128xf32, #tpu.memory_space<hbm>> -> memref<80x128xf32, #tpu.memory_space<hbm>>
      %dma_wait3A_456 = arith.constant 0 : i32
      %dma_wait3A_457 = tpu.memref_slice %arg2[%add3A_453, %dma_wait3A_456] : memref<320000x128xf32, #tpu.memory_space<hbm>> -> memref<80x128xf32, #tpu.memory_space<hbm>>
      tpu.wait_dma2 semaphore(%arg17 : memref<!tpu.dma_semaphore, #tpu.memory_space<semaphore_mem>>) src(%dma_wait3A_457 : memref<80x128xf32, #tpu.memory_space<hbm>>) dst(%arg9 : memref<80x128xf32, #tpu.memory_space<vmem>>)
      %dma_start3A_458 = arith.constant 0 : i32
      %dma_start3A_459 = tpu.memref_slice %arg11[%add3A_450, %dma_start3A_458] : memref<125x80xi32, #tpu.memory_space<vmem>> -> memref<1x80xi32, #tpu.memory_space<vmem>>
      %dma_start3A_460 = tpu.memref_squeeze %dma_start3A_459 : memref<1x80xi32, #tpu.memory_space<vmem>> -> memref<80xi32, #tpu.memory_space<vmem>>
      %dma_start3A_461 = arith.constant 0 : i32
      %dma_start3A_462 = arith.constant 0 : i32
      %dma_start3A_463 = tpu.memref_slice %arg15[%dma_start3A_461, %dma_start3A_462] : memref<4096x128xf32, #tpu.memory_space<vmem_shared>> -> memref<4096x128xf32, #tpu.memory_space<vmem_shared>>
      tpu.enqueue_indirect_dma source(%arg9 : memref<80x128xf32, #tpu.memory_space<vmem>>) target(%dma_start3A_463 : memref<4096x128xf32, #tpu.memory_space<vmem_shared>>) offsets(%dma_start3A_460 : memref<80xi32, #tpu.memory_space<vmem>>) semaphore(%arg20 : memref<!tpu.dma_semaphore, #tpu.memory_space<semaphore_mem>>) {add = true}
      %ge3A_464 = arith.constant 1 : i32
      %ge3A_465 = arith.cmpi sge, %add3A_450, %ge3A_464 : i32
      %convert_element_type3A_466 = arith.extui %ge3A_465 : i1 to i32
      %cond3A_467 = arith.constant 0 : i32
      %cond3A_468 = arith.cmpi ne, %convert_element_type3A_466, %cond3A_467 : i32
      scf.if %cond3A_468 {
        %dma_wait3A_505 = arith.constant 0 : i32
        %dma_wait3A_506 = tpu.memref_slice %arg11[%add3A_450, %dma_wait3A_505] : memref<125x80xi32, #tpu.memory_space<vmem>> -> memref<1x80xi32, #tpu.memory_space<vmem>>
        %dma_wait3A_507 = tpu.memref_squeeze %dma_wait3A_506 : memref<1x80xi32, #tpu.memory_space<vmem>> -> memref<80xi32, #tpu.memory_space<vmem>>
        %dma_wait3A_508 = arith.constant 0 : i32
        %dma_wait3A_509 = arith.constant 0 : i32
        %dma_wait3A_510 = tpu.memref_slice %arg15[%dma_wait3A_508, %dma_wait3A_509] : memref<4096x128xf32, #tpu.memory_space<vmem_shared>> -> memref<4096x128xf32, #tpu.memory_space<vmem_shared>>
        tpu.wait_indirect_dma semaphore(%arg19 : memref<!tpu.dma_semaphore, #tpu.memory_space<semaphore_mem>>) src(%arg8 : memref<80x128xf32, #tpu.memory_space<vmem>>) dst(%dma_wait3A_510 : memref<4096x128xf32, #tpu.memory_space<vmem_shared>>)
      } else {
      }
      %add3A_469 = arith.constant 2 : i32
      %add3A_470 = arith.addi %add3A_450, %add3A_469 : i32
      %lt3A_471 = arith.constant 125 : i32
      %lt3A_472 = arith.cmpi slt, %add3A_470, %lt3A_471 : i32
      %convert_element_type3A_473 = arith.extui %lt3A_472 : i1 to i32
      %cond3A_474 = arith.constant 0 : i32
      %cond3A_475 = arith.cmpi ne, %convert_element_type3A_473, %cond3A_474 : i32
      scf.if %cond3A_475 {
        %add3A_505 = arith.constant 2 : i32
        %add3A_506 = arith.addi %add3A_450, %add3A_505 : i32
        %mul3A_507 = arith.constant 80 : i32
        %mul3A_508 = arith.muli %add3A_506, %mul3A_507 : i32
        %add3A_509 = arith.addi %mul3A_2, %mul3A_508 : i32
        %dma_start3A_510 = arith.constant 0 : i32
        %dma_start3A_511 = tpu.memref_slice %arg2[%add3A_509, %dma_start3A_510] : memref<320000x128xf32, #tpu.memory_space<hbm>> -> memref<80x128xf32, #tpu.memory_space<hbm>>
        %dma_start3A_512 = arith.constant 0 : i32
        %dma_start3A_513 = tpu.memref_slice %arg2[%add3A_509, %dma_start3A_512] : memref<320000x128xf32, #tpu.memory_space<hbm>> -> memref<80x128xf32, #tpu.memory_space<hbm>>
        tpu.enqueue_dma source(%dma_start3A_513 : memref<80x128xf32, #tpu.memory_space<hbm>>) target(%arg8 : memref<80x128xf32, #tpu.memory_space<vmem>>) target_semaphore(%arg16 : memref<!tpu.dma_semaphore, #tpu.memory_space<semaphore_mem>>)
      } else {
      }
      %mul3A_476 = arith.constant 3 : i32
      %mul3A_477 = arith.muli %mul3A_476, %scan3A_411 : i32
      %add3A_478 = arith.constant 2 : i32
      %add3A_479 = arith.addi %mul3A_477, %add3A_478 : i32
      %mul3A_480 = arith.constant 80 : i32
      %mul3A_481 = arith.muli %add3A_479, %mul3A_480 : i32
      %add3A_482 = arith.addi %mul3A_2, %mul3A_481 : i32
      %dma_wait3A_483 = arith.constant 0 : i32
      %dma_wait3A_484 = tpu.memref_slice %arg2[%add3A_482, %dma_wait3A_483] : memref<320000x128xf32, #tpu.memory_space<hbm>> -> memref<80x128xf32, #tpu.memory_space<hbm>>
      %dma_wait3A_485 = arith.constant 0 : i32
      %dma_wait3A_486 = tpu.memref_slice %arg2[%add3A_482, %dma_wait3A_485] : memref<320000x128xf32, #tpu.memory_space<hbm>> -> memref<80x128xf32, #tpu.memory_space<hbm>>
      tpu.wait_dma2 semaphore(%arg18 : memref<!tpu.dma_semaphore, #tpu.memory_space<semaphore_mem>>) src(%dma_wait3A_486 : memref<80x128xf32, #tpu.memory_space<hbm>>) dst(%arg10 : memref<80x128xf32, #tpu.memory_space<vmem>>)
      %dma_start3A_487 = arith.constant 0 : i32
      %dma_start3A_488 = tpu.memref_slice %arg11[%add3A_479, %dma_start3A_487] : memref<125x80xi32, #tpu.memory_space<vmem>> -> memref<1x80xi32, #tpu.memory_space<vmem>>
      %dma_start3A_489 = tpu.memref_squeeze %dma_start3A_488 : memref<1x80xi32, #tpu.memory_space<vmem>> -> memref<80xi32, #tpu.memory_space<vmem>>
      %dma_start3A_490 = arith.constant 0 : i32
      %dma_start3A_491 = arith.constant 0 : i32
      %dma_start3A_492 = tpu.memref_slice %arg15[%dma_start3A_490, %dma_start3A_491] : memref<4096x128xf32, #tpu.memory_space<vmem_shared>> -> memref<4096x128xf32, #tpu.memory_space<vmem_shared>>
      tpu.enqueue_indirect_dma source(%arg10 : memref<80x128xf32, #tpu.memory_space<vmem>>) target(%dma_start3A_492 : memref<4096x128xf32, #tpu.memory_space<vmem_shared>>) offsets(%dma_start3A_489 : memref<80xi32, #tpu.memory_space<vmem>>) semaphore(%arg21 : memref<!tpu.dma_semaphore, #tpu.memory_space<semaphore_mem>>) {add = true}
      %ge3A_493 = arith.constant 1 : i32
      %ge3A_494 = arith.cmpi sge, %add3A_479, %ge3A_493 : i32
      %convert_element_type3A_495 = arith.extui %ge3A_494 : i1 to i32
      %cond3A_496 = arith.constant 0 : i32
      %cond3A_497 = arith.cmpi ne, %convert_element_type3A_495, %cond3A_496 : i32
      scf.if %cond3A_497 {
        %dma_wait3A_505 = arith.constant 0 : i32
        %dma_wait3A_506 = tpu.memref_slice %arg11[%add3A_479, %dma_wait3A_505] : memref<125x80xi32, #tpu.memory_space<vmem>> -> memref<1x80xi32, #tpu.memory_space<vmem>>
        %dma_wait3A_507 = tpu.memref_squeeze %dma_wait3A_506 : memref<1x80xi32, #tpu.memory_space<vmem>> -> memref<80xi32, #tpu.memory_space<vmem>>
        %dma_wait3A_508 = arith.constant 0 : i32
        %dma_wait3A_509 = arith.constant 0 : i32
        %dma_wait3A_510 = tpu.memref_slice %arg15[%dma_wait3A_508, %dma_wait3A_509] : memref<4096x128xf32, #tpu.memory_space<vmem_shared>> -> memref<4096x128xf32, #tpu.memory_space<vmem_shared>>
        tpu.wait_indirect_dma semaphore(%arg20 : memref<!tpu.dma_semaphore, #tpu.memory_space<semaphore_mem>>) src(%arg9 : memref<80x128xf32, #tpu.memory_space<vmem>>) dst(%dma_wait3A_510 : memref<4096x128xf32, #tpu.memory_space<vmem_shared>>)
      } else {
      }
      %add3A_498 = arith.constant 2 : i32
      %add3A_499 = arith.addi %add3A_479, %add3A_498 : i32
      %lt3A_500 = arith.constant 125 : i32
      %lt3A_501 = arith.cmpi slt, %add3A_499, %lt3A_500 : i32
      %convert_element_type3A_502 = arith.extui %lt3A_501 : i1 to i32
      %cond3A_503 = arith.constant 0 : i32
      %cond3A_504 = arith.cmpi ne, %convert_element_type3A_502, %cond3A_503 : i32
      scf.if %cond3A_504 {
        %add3A_505 = arith.constant 2 : i32
        %add3A_506 = arith.addi %add3A_479, %add3A_505 : i32
        %mul3A_507 = arith.constant 80 : i32
        %mul3A_508 = arith.muli %add3A_506, %mul3A_507 : i32
        %add3A_509 = arith.addi %mul3A_2, %mul3A_508 : i32
        %dma_start3A_510 = arith.constant 0 : i32
        %dma_start3A_511 = tpu.memref_slice %arg2[%add3A_509, %dma_start3A_510] : memref<320000x128xf32, #tpu.memory_space<hbm>> -> memref<80x128xf32, #tpu.memory_space<hbm>>
        %dma_start3A_512 = arith.constant 0 : i32
        %dma_start3A_513 = tpu.memref_slice %arg2[%add3A_509, %dma_start3A_512] : memref<320000x128xf32, #tpu.memory_space<hbm>> -> memref<80x128xf32, #tpu.memory_space<hbm>>
        tpu.enqueue_dma source(%dma_start3A_513 : memref<80x128xf32, #tpu.memory_space<hbm>>) target(%arg9 : memref<80x128xf32, #tpu.memory_space<vmem>>) target_semaphore(%arg17 : memref<!tpu.dma_semaphore, #tpu.memory_space<semaphore_mem>>)
      } else {
      }
      scf.yield %cond3A_446#0, %cond3A_446#1 : i32, i32
    }
    %scan3A_335 = arith.constant 41 : i32
    %add3A_336 = arith.constant 9840 : i32
    %add3A_337 = arith.addi %mul3A_2, %add3A_336 : i32
    %dma_wait3A = arith.constant 0 : i32
    %dma_wait3A_338 = tpu.memref_slice %arg2[%add3A_337, %dma_wait3A] : memref<320000x128xf32, #tpu.memory_space<hbm>> -> memref<80x128xf32, #tpu.memory_space<hbm>>
    %dma_wait3A_339 = arith.constant 0 : i32
    %dma_wait3A_340 = tpu.memref_slice %arg2[%add3A_337, %dma_wait3A_339] : memref<320000x128xf32, #tpu.memory_space<hbm>> -> memref<80x128xf32, #tpu.memory_space<hbm>>
    tpu.wait_dma2 semaphore(%arg16 : memref<!tpu.dma_semaphore, #tpu.memory_space<semaphore_mem>>) src(%dma_wait3A_340 : memref<80x128xf32, #tpu.memory_space<hbm>>) dst(%arg8 : memref<80x128xf32, #tpu.memory_space<vmem>>)
    %dma_start3A_341 = arith.constant 123 : i32
    %dma_start3A_342 = arith.constant 0 : i32
    %dma_start3A_343 = tpu.memref_slice %arg11[%dma_start3A_341, %dma_start3A_342] : memref<125x80xi32, #tpu.memory_space<vmem>> -> memref<1x80xi32, #tpu.memory_space<vmem>>
    %dma_start3A_344 = tpu.memref_squeeze %dma_start3A_343 : memref<1x80xi32, #tpu.memory_space<vmem>> -> memref<80xi32, #tpu.memory_space<vmem>>
    %dma_start3A_345 = arith.constant 0 : i32
    %dma_start3A_346 = arith.constant 0 : i32
    %dma_start3A_347 = tpu.memref_slice %arg15[%dma_start3A_345, %dma_start3A_346] : memref<4096x128xf32, #tpu.memory_space<vmem_shared>> -> memref<4096x128xf32, #tpu.memory_space<vmem_shared>>
    tpu.enqueue_indirect_dma source(%arg8 : memref<80x128xf32, #tpu.memory_space<vmem>>) target(%dma_start3A_347 : memref<4096x128xf32, #tpu.memory_space<vmem_shared>>) offsets(%dma_start3A_344 : memref<80xi32, #tpu.memory_space<vmem>>) semaphore(%arg19 : memref<!tpu.dma_semaphore, #tpu.memory_space<semaphore_mem>>) {add = true}
    %dma_wait3A_348 = arith.constant 123 : i32
    %dma_wait3A_349 = arith.constant 0 : i32
    %dma_wait3A_350 = tpu.memref_slice %arg11[%dma_wait3A_348, %dma_wait3A_349] : memref<125x80xi32, #tpu.memory_space<vmem>> -> memref<1x80xi32, #tpu.memory_space<vmem>>
    %dma_wait3A_351 = tpu.memref_squeeze %dma_wait3A_350 : memref<1x80xi32, #tpu.memory_space<vmem>> -> memref<80xi32, #tpu.memory_space<vmem>>
    %dma_wait3A_352 = arith.constant 0 : i32
    %dma_wait3A_353 = arith.constant 0 : i32
    %dma_wait3A_354 = tpu.memref_slice %arg15[%dma_wait3A_352, %dma_wait3A_353] : memref<4096x128xf32, #tpu.memory_space<vmem_shared>> -> memref<4096x128xf32, #tpu.memory_space<vmem_shared>>
    tpu.wait_indirect_dma semaphore(%arg21 : memref<!tpu.dma_semaphore, #tpu.memory_space<semaphore_mem>>) src(%arg10 : memref<80x128xf32, #tpu.memory_space<vmem>>) dst(%dma_wait3A_354 : memref<4096x128xf32, #tpu.memory_space<vmem_shared>>)
    %add3A_355 = arith.constant 9920 : i32
    %add3A_356 = arith.addi %mul3A_2, %add3A_355 : i32
    %dma_wait3A_357 = arith.constant 0 : i32
    %dma_wait3A_358 = tpu.memref_slice %arg2[%add3A_356, %dma_wait3A_357] : memref<320000x128xf32, #tpu.memory_space<hbm>> -> memref<80x128xf32, #tpu.memory_space<hbm>>
    %dma_wait3A_359 = arith.constant 0 : i32
    %dma_wait3A_360 = tpu.memref_slice %arg2[%add3A_356, %dma_wait3A_359] : memref<320000x128xf32, #tpu.memory_space<hbm>> -> memref<80x128xf32, #tpu.memory_space<hbm>>
    tpu.wait_dma2 semaphore(%arg17 : memref<!tpu.dma_semaphore, #tpu.memory_space<semaphore_mem>>) src(%dma_wait3A_360 : memref<80x128xf32, #tpu.memory_space<hbm>>) dst(%arg9 : memref<80x128xf32, #tpu.memory_space<vmem>>)
    %dma_start3A_361 = arith.constant 124 : i32
    %dma_start3A_362 = arith.constant 0 : i32
    %dma_start3A_363 = tpu.memref_slice %arg11[%dma_start3A_361, %dma_start3A_362] : memref<125x80xi32, #tpu.memory_space<vmem>> -> memref<1x80xi32, #tpu.memory_space<vmem>>
    %dma_start3A_364 = tpu.memref_squeeze %dma_start3A_363 : memref<1x80xi32, #tpu.memory_space<vmem>> -> memref<80xi32, #tpu.memory_space<vmem>>
    %dma_start3A_365 = arith.constant 0 : i32
    %dma_start3A_366 = arith.constant 0 : i32
    %dma_start3A_367 = tpu.memref_slice %arg15[%dma_start3A_365, %dma_start3A_366] : memref<4096x128xf32, #tpu.memory_space<vmem_shared>> -> memref<4096x128xf32, #tpu.memory_space<vmem_shared>>
    tpu.enqueue_indirect_dma source(%arg9 : memref<80x128xf32, #tpu.memory_space<vmem>>) target(%dma_start3A_367 : memref<4096x128xf32, #tpu.memory_space<vmem_shared>>) offsets(%dma_start3A_364 : memref<80xi32, #tpu.memory_space<vmem>>) semaphore(%arg20 : memref<!tpu.dma_semaphore, #tpu.memory_space<semaphore_mem>>) {add = true}
    %dma_wait3A_368 = arith.constant 124 : i32
    %dma_wait3A_369 = arith.constant 0 : i32
    %dma_wait3A_370 = tpu.memref_slice %arg11[%dma_wait3A_368, %dma_wait3A_369] : memref<125x80xi32, #tpu.memory_space<vmem>> -> memref<1x80xi32, #tpu.memory_space<vmem>>
    %dma_wait3A_371 = tpu.memref_squeeze %dma_wait3A_370 : memref<1x80xi32, #tpu.memory_space<vmem>> -> memref<80xi32, #tpu.memory_space<vmem>>
    %dma_wait3A_372 = arith.constant 0 : i32
    %dma_wait3A_373 = arith.constant 0 : i32
    %dma_wait3A_374 = tpu.memref_slice %arg15[%dma_wait3A_372, %dma_wait3A_373] : memref<4096x128xf32, #tpu.memory_space<vmem_shared>> -> memref<4096x128xf32, #tpu.memory_space<vmem_shared>>
    tpu.wait_indirect_dma semaphore(%arg19 : memref<!tpu.dma_semaphore, #tpu.memory_space<semaphore_mem>>) src(%arg8 : memref<80x128xf32, #tpu.memory_space<vmem>>) dst(%dma_wait3A_374 : memref<4096x128xf32, #tpu.memory_space<vmem_shared>>)
    %dma_wait3A_375 = arith.constant 124 : i32
    %dma_wait3A_376 = arith.constant 0 : i32
    %dma_wait3A_377 = tpu.memref_slice %arg11[%dma_wait3A_375, %dma_wait3A_376] : memref<125x80xi32, #tpu.memory_space<vmem>> -> memref<1x80xi32, #tpu.memory_space<vmem>>
    %dma_wait3A_378 = tpu.memref_squeeze %dma_wait3A_377 : memref<1x80xi32, #tpu.memory_space<vmem>> -> memref<80xi32, #tpu.memory_space<vmem>>
    %dma_wait3A_379 = arith.constant 0 : i32
    %dma_wait3A_380 = arith.constant 0 : i32
    %dma_wait3A_381 = tpu.memref_slice %arg15[%dma_wait3A_379, %dma_wait3A_380] : memref<4096x128xf32, #tpu.memory_space<vmem_shared>> -> memref<4096x128xf32, #tpu.memory_space<vmem_shared>>
    tpu.wait_indirect_dma semaphore(%arg20 : memref<!tpu.dma_semaphore, #tpu.memory_space<semaphore_mem>>) src(%arg9 : memref<80x128xf32, #tpu.memory_space<vmem>>) dst(%dma_wait3A_381 : memref<4096x128xf32, #tpu.memory_space<vmem_shared>>)
    "tpu.region"() ({
      %run_scoped3A = tpu.sem_alloc : memref<!tpu.dma_semaphore, #tpu.memory_space<semaphore_mem>>
      %dma_start3A_411 = arith.constant 0 : i32
      %dma_start3A_412 = tpu.memref_slice %arg7[%add3A, %dma_start3A_411] : memref<32x128xf32, #tpu.memory_space<hbm>> -> memref<1x128xf32, #tpu.memory_space<hbm>>
      %dma_start3A_413 = tpu.memref_squeeze %dma_start3A_412 : memref<1x128xf32, #tpu.memory_space<hbm>> -> memref<128xf32, #tpu.memory_space<hbm>>
      %dma_start3A_414 = arith.constant 0 : i32
      %dma_start3A_415 = tpu.memref_slice %arg7[%add3A, %dma_start3A_414] : memref<32x128xf32, #tpu.memory_space<hbm>> -> memref<1x128xf32, #tpu.memory_space<hbm>>
      %dma_start3A_416 = tpu.memref_squeeze %dma_start3A_415 : memref<1x128xf32, #tpu.memory_space<hbm>> -> memref<128xf32, #tpu.memory_space<hbm>>
      tpu.enqueue_dma source(%arg14 : memref<128xf32, #tpu.memory_space<vmem>>) target(%dma_start3A_416 : memref<128xf32, #tpu.memory_space<hbm>>) target_semaphore(%run_scoped3A : memref<!tpu.dma_semaphore, #tpu.memory_space<semaphore_mem>>)
      %dma_wait3A_417 = arith.constant 0 : i32
      %dma_wait3A_418 = tpu.memref_slice %arg7[%add3A, %dma_wait3A_417] : memref<32x128xf32, #tpu.memory_space<hbm>> -> memref<1x128xf32, #tpu.memory_space<hbm>>
      %dma_wait3A_419 = tpu.memref_squeeze %dma_wait3A_418 : memref<1x128xf32, #tpu.memory_space<hbm>> -> memref<128xf32, #tpu.memory_space<hbm>>
      %dma_wait3A_420 = arith.constant 0 : i32
      %dma_wait3A_421 = tpu.memref_slice %arg7[%add3A, %dma_wait3A_420] : memref<32x128xf32, #tpu.memory_space<hbm>> -> memref<1x128xf32, #tpu.memory_space<hbm>>
      %dma_wait3A_422 = tpu.memref_squeeze %dma_wait3A_421 : memref<1x128xf32, #tpu.memory_space<hbm>> -> memref<128xf32, #tpu.memory_space<hbm>>
      tpu.wait_dma2 semaphore(%run_scoped3A : memref<!tpu.dma_semaphore, #tpu.memory_space<semaphore_mem>>) src(%arg14 : memref<128xf32, #tpu.memory_space<vmem>>) dst(%dma_wait3A_422 : memref<128xf32, #tpu.memory_space<hbm>>)
      tpu.yield
    }) : () -> ()
    %barrier3A_382 = arith.constant 0 : index
    tpu.barrier barrier_id(%barrier3A_382)
    %mul3A_383 = arith.constant 256 : i32
    %mul3A_384 = arith.muli %arg1, %mul3A_383 : i32
    %add3A_385 = arith.constant 0 : i32
    %add3A_386 = arith.addi %mul3A_384, %add3A_385 : i32
    "tpu.region"() ({
      %run_scoped3A = tpu.sem_alloc : memref<!tpu.dma_semaphore, #tpu.memory_space<semaphore_mem>>
      %dma_start3A_411 = arith.constant 0 : i32
      %dma_start3A_412 = arith.constant 0 : i32
      %dma_start3A_413 = tpu.memref_slice %arg8[%dma_start3A_411, %dma_start3A_412] : memref<80x128xf32, #tpu.memory_space<vmem>> -> memref<64x128xf32, #tpu.memory_space<vmem>>
      %dma_start3A_414 = arith.constant 0 : i32
      %dma_start3A_415 = tpu.memref_slice %arg15[%add3A_386, %dma_start3A_414] : memref<4096x128xf32, #tpu.memory_space<vmem_shared>> -> memref<64x128xf32, #tpu.memory_space<vmem_shared>>
      %dma_start3A_416 = arith.constant 0 : i32
      %dma_start3A_417 = arith.constant 0 : i32
      %dma_start3A_418 = tpu.memref_slice %arg8[%dma_start3A_416, %dma_start3A_417] : memref<80x128xf32, #tpu.memory_space<vmem>> -> memref<64x128xf32, #tpu.memory_space<vmem>>
      %dma_start3A_419 = arith.constant 0 : i32
      %dma_start3A_420 = tpu.memref_slice %arg15[%add3A_386, %dma_start3A_419] : memref<4096x128xf32, #tpu.memory_space<vmem_shared>> -> memref<64x128xf32, #tpu.memory_space<vmem_shared>>
      tpu.enqueue_dma source(%dma_start3A_420 : memref<64x128xf32, #tpu.memory_space<vmem_shared>>) target(%dma_start3A_418 : memref<64x128xf32, #tpu.memory_space<vmem>>) target_semaphore(%run_scoped3A : memref<!tpu.dma_semaphore, #tpu.memory_space<semaphore_mem>>)
      %dma_wait3A_421 = arith.constant 0 : i32
      %dma_wait3A_422 = arith.constant 0 : i32
      %dma_wait3A_423 = tpu.memref_slice %arg8[%dma_wait3A_421, %dma_wait3A_422] : memref<80x128xf32, #tpu.memory_space<vmem>> -> memref<64x128xf32, #tpu.memory_space<vmem>>
      %dma_wait3A_424 = arith.constant 0 : i32
      %dma_wait3A_425 = tpu.memref_slice %arg15[%add3A_386, %dma_wait3A_424] : memref<4096x128xf32, #tpu.memory_space<vmem_shared>> -> memref<64x128xf32, #tpu.memory_space<vmem_shared>>
      %dma_wait3A_426 = arith.constant 0 : i32
      %dma_wait3A_427 = arith.constant 0 : i32
      %dma_wait3A_428 = tpu.memref_slice %arg8[%dma_wait3A_426, %dma_wait3A_427] : memref<80x128xf32, #tpu.memory_space<vmem>> -> memref<64x128xf32, #tpu.memory_space<vmem>>
      %dma_wait3A_429 = arith.constant 0 : i32
      %dma_wait3A_430 = tpu.memref_slice %arg15[%add3A_386, %dma_wait3A_429] : memref<4096x128xf32, #tpu.memory_space<vmem_shared>> -> memref<64x128xf32, #tpu.memory_space<vmem_shared>>
      tpu.wait_dma2 semaphore(%run_scoped3A : memref<!tpu.dma_semaphore, #tpu.memory_space<semaphore_mem>>) src(%dma_wait3A_430 : memref<64x128xf32, #tpu.memory_space<vmem_shared>>) dst(%dma_wait3A_428 : memref<64x128xf32, #tpu.memory_space<vmem>>)
      tpu.yield
    }) : () -> ()
    %mul3A_387 = arith.constant 4096 : i32
    %mul3A_388 = arith.muli %arg0, %mul3A_387 : i32
    %add3A_389 = arith.addi %mul3A_388, %add3A_386 : i32
    "tpu.region"() ({
      %run_scoped3A = tpu.sem_alloc : memref<!tpu.dma_semaphore, #tpu.memory_space<semaphore_mem>>
      %dma_start3A_411 = arith.constant 0 : i32
      %dma_start3A_412 = arith.constant 0 : i32
      %dma_start3A_413 = tpu.memref_slice %arg8[%dma_start3A_411, %dma_start3A_412] : memref<80x128xf32, #tpu.memory_space<vmem>> -> memref<64x128xf32, #tpu.memory_space<vmem>>
      %dma_start3A_414 = arith.constant 0 : i32
      %dma_start3A_415 = tpu.memref_slice %arg6[%add3A_389, %dma_start3A_414] : memref<8192x128xf32, #tpu.memory_space<hbm>> -> memref<64x128xf32, #tpu.memory_space<hbm>>
      %dma_start3A_416 = arith.constant 0 : i32
      %dma_start3A_417 = tpu.memref_slice %arg6[%add3A_389, %dma_start3A_416] : memref<8192x128xf32, #tpu.memory_space<hbm>> -> memref<64x128xf32, #tpu.memory_space<hbm>>
      %dma_start3A_418 = arith.constant 0 : i32
      %dma_start3A_419 = arith.constant 0 : i32
      %dma_start3A_420 = tpu.memref_slice %arg8[%dma_start3A_418, %dma_start3A_419] : memref<80x128xf32, #tpu.memory_space<vmem>> -> memref<64x128xf32, #tpu.memory_space<vmem>>
      tpu.enqueue_dma source(%dma_start3A_420 : memref<64x128xf32, #tpu.memory_space<vmem>>) target(%dma_start3A_417 : memref<64x128xf32, #tpu.memory_space<hbm>>) target_semaphore(%run_scoped3A : memref<!tpu.dma_semaphore, #tpu.memory_space<semaphore_mem>>)
      %dma_wait3A_421 = arith.constant 0 : i32
      %dma_wait3A_422 = arith.constant 0 : i32
      %dma_wait3A_423 = tpu.memref_slice %arg8[%dma_wait3A_421, %dma_wait3A_422] : memref<80x128xf32, #tpu.memory_space<vmem>> -> memref<64x128xf32, #tpu.memory_space<vmem>>
      %dma_wait3A_424 = arith.constant 0 : i32
      %dma_wait3A_425 = tpu.memref_slice %arg6[%add3A_389, %dma_wait3A_424] : memref<8192x128xf32, #tpu.memory_space<hbm>> -> memref<64x128xf32, #tpu.memory_space<hbm>>
      %dma_wait3A_426 = arith.constant 0 : i32
      %dma_wait3A_427 = tpu.memref_slice %arg6[%add3A_389, %dma_wait3A_426] : memref<8192x128xf32, #tpu.memory_space<hbm>> -> memref<64x128xf32, #tpu.memory_space<hbm>>
      %dma_wait3A_428 = arith.constant 0 : i32
      %dma_wait3A_429 = arith.constant 0 : i32
      %dma_wait3A_430 = tpu.memref_slice %arg8[%dma_wait3A_428, %dma_wait3A_429] : memref<80x128xf32, #tpu.memory_space<vmem>> -> memref<64x128xf32, #tpu.memory_space<vmem>>
      tpu.wait_dma2 semaphore(%run_scoped3A : memref<!tpu.dma_semaphore, #tpu.memory_space<semaphore_mem>>) src(%dma_wait3A_430 : memref<64x128xf32, #tpu.memory_space<vmem>>) dst(%dma_wait3A_427 : memref<64x128xf32, #tpu.memory_space<hbm>>)
      tpu.yield
    }) : () -> ()
    %mul3A_390 = arith.constant 256 : i32
    %mul3A_391 = arith.muli %arg1, %mul3A_390 : i32
    %add3A_392 = arith.constant 64 : i32
    %add3A_393 = arith.addi %mul3A_391, %add3A_392 : i32
    "tpu.region"() ({
      %run_scoped3A = tpu.sem_alloc : memref<!tpu.dma_semaphore, #tpu.memory_space<semaphore_mem>>
      %dma_start3A_411 = arith.constant 0 : i32
      %dma_start3A_412 = arith.constant 0 : i32
      %dma_start3A_413 = tpu.memref_slice %arg8[%dma_start3A_411, %dma_start3A_412] : memref<80x128xf32, #tpu.memory_space<vmem>> -> memref<64x128xf32, #tpu.memory_space<vmem>>
      %dma_start3A_414 = arith.constant 0 : i32
      %dma_start3A_415 = tpu.memref_slice %arg15[%add3A_393, %dma_start3A_414] : memref<4096x128xf32, #tpu.memory_space<vmem_shared>> -> memref<64x128xf32, #tpu.memory_space<vmem_shared>>
      %dma_start3A_416 = arith.constant 0 : i32
      %dma_start3A_417 = arith.constant 0 : i32
      %dma_start3A_418 = tpu.memref_slice %arg8[%dma_start3A_416, %dma_start3A_417] : memref<80x128xf32, #tpu.memory_space<vmem>> -> memref<64x128xf32, #tpu.memory_space<vmem>>
      %dma_start3A_419 = arith.constant 0 : i32
      %dma_start3A_420 = tpu.memref_slice %arg15[%add3A_393, %dma_start3A_419] : memref<4096x128xf32, #tpu.memory_space<vmem_shared>> -> memref<64x128xf32, #tpu.memory_space<vmem_shared>>
      tpu.enqueue_dma source(%dma_start3A_420 : memref<64x128xf32, #tpu.memory_space<vmem_shared>>) target(%dma_start3A_418 : memref<64x128xf32, #tpu.memory_space<vmem>>) target_semaphore(%run_scoped3A : memref<!tpu.dma_semaphore, #tpu.memory_space<semaphore_mem>>)
      %dma_wait3A_421 = arith.constant 0 : i32
      %dma_wait3A_422 = arith.constant 0 : i32
      %dma_wait3A_423 = tpu.memref_slice %arg8[%dma_wait3A_421, %dma_wait3A_422] : memref<80x128xf32, #tpu.memory_space<vmem>> -> memref<64x128xf32, #tpu.memory_space<vmem>>
      %dma_wait3A_424 = arith.constant 0 : i32
      %dma_wait3A_425 = tpu.memref_slice %arg15[%add3A_393, %dma_wait3A_424] : memref<4096x128xf32, #tpu.memory_space<vmem_shared>> -> memref<64x128xf32, #tpu.memory_space<vmem_shared>>
      %dma_wait3A_426 = arith.constant 0 : i32
      %dma_wait3A_427 = arith.constant 0 : i32
      %dma_wait3A_428 = tpu.memref_slice %arg8[%dma_wait3A_426, %dma_wait3A_427] : memref<80x128xf32, #tpu.memory_space<vmem>> -> memref<64x128xf32, #tpu.memory_space<vmem>>
      %dma_wait3A_429 = arith.constant 0 : i32
      %dma_wait3A_430 = tpu.memref_slice %arg15[%add3A_393, %dma_wait3A_429] : memref<4096x128xf32, #tpu.memory_space<vmem_shared>> -> memref<64x128xf32, #tpu.memory_space<vmem_shared>>
      tpu.wait_dma2 semaphore(%run_scoped3A : memref<!tpu.dma_semaphore, #tpu.memory_space<semaphore_mem>>) src(%dma_wait3A_430 : memref<64x128xf32, #tpu.memory_space<vmem_shared>>) dst(%dma_wait3A_428 : memref<64x128xf32, #tpu.memory_space<vmem>>)
      tpu.yield
    }) : () -> ()
    %mul3A_394 = arith.constant 4096 : i32
    %mul3A_395 = arith.muli %arg0, %mul3A_394 : i32
    %add3A_396 = arith.addi %mul3A_395, %add3A_393 : i32
    "tpu.region"() ({
      %run_scoped3A = tpu.sem_alloc : memref<!tpu.dma_semaphore, #tpu.memory_space<semaphore_mem>>
      %dma_start3A_411 = arith.constant 0 : i32
      %dma_start3A_412 = arith.constant 0 : i32
      %dma_start3A_413 = tpu.memref_slice %arg8[%dma_start3A_411, %dma_start3A_412] : memref<80x128xf32, #tpu.memory_space<vmem>> -> memref<64x128xf32, #tpu.memory_space<vmem>>
      %dma_start3A_414 = arith.constant 0 : i32
      %dma_start3A_415 = tpu.memref_slice %arg6[%add3A_396, %dma_start3A_414] : memref<8192x128xf32, #tpu.memory_space<hbm>> -> memref<64x128xf32, #tpu.memory_space<hbm>>
      %dma_start3A_416 = arith.constant 0 : i32
      %dma_start3A_417 = tpu.memref_slice %arg6[%add3A_396, %dma_start3A_416] : memref<8192x128xf32, #tpu.memory_space<hbm>> -> memref<64x128xf32, #tpu.memory_space<hbm>>
      %dma_start3A_418 = arith.constant 0 : i32
      %dma_start3A_419 = arith.constant 0 : i32
      %dma_start3A_420 = tpu.memref_slice %arg8[%dma_start3A_418, %dma_start3A_419] : memref<80x128xf32, #tpu.memory_space<vmem>> -> memref<64x128xf32, #tpu.memory_space<vmem>>
      tpu.enqueue_dma source(%dma_start3A_420 : memref<64x128xf32, #tpu.memory_space<vmem>>) target(%dma_start3A_417 : memref<64x128xf32, #tpu.memory_space<hbm>>) target_semaphore(%run_scoped3A : memref<!tpu.dma_semaphore, #tpu.memory_space<semaphore_mem>>)
      %dma_wait3A_421 = arith.constant 0 : i32
      %dma_wait3A_422 = arith.constant 0 : i32
      %dma_wait3A_423 = tpu.memref_slice %arg8[%dma_wait3A_421, %dma_wait3A_422] : memref<80x128xf32, #tpu.memory_space<vmem>> -> memref<64x128xf32, #tpu.memory_space<vmem>>
      %dma_wait3A_424 = arith.constant 0 : i32
      %dma_wait3A_425 = tpu.memref_slice %arg6[%add3A_396, %dma_wait3A_424] : memref<8192x128xf32, #tpu.memory_space<hbm>> -> memref<64x128xf32, #tpu.memory_space<hbm>>
      %dma_wait3A_426 = arith.constant 0 : i32
      %dma_wait3A_427 = tpu.memref_slice %arg6[%add3A_396, %dma_wait3A_426] : memref<8192x128xf32, #tpu.memory_space<hbm>> -> memref<64x128xf32, #tpu.memory_space<hbm>>
      %dma_wait3A_428 = arith.constant 0 : i32
      %dma_wait3A_429 = arith.constant 0 : i32
      %dma_wait3A_430 = tpu.memref_slice %arg8[%dma_wait3A_428, %dma_wait3A_429] : memref<80x128xf32, #tpu.memory_space<vmem>> -> memref<64x128xf32, #tpu.memory_space<vmem>>
      tpu.wait_dma2 semaphore(%run_scoped3A : memref<!tpu.dma_semaphore, #tpu.memory_space<semaphore_mem>>) src(%dma_wait3A_430 : memref<64x128xf32, #tpu.memory_space<vmem>>) dst(%dma_wait3A_427 : memref<64x128xf32, #tpu.memory_space<hbm>>)
      tpu.yield
    }) : () -> ()
    %mul3A_397 = arith.constant 256 : i32
    %mul3A_398 = arith.muli %arg1, %mul3A_397 : i32
    %add3A_399 = arith.constant 128 : i32
    %add3A_400 = arith.addi %mul3A_398, %add3A_399 : i32
    "tpu.region"() ({
      %run_scoped3A = tpu.sem_alloc : memref<!tpu.dma_semaphore, #tpu.memory_space<semaphore_mem>>
      %dma_start3A_411 = arith.constant 0 : i32
      %dma_start3A_412 = arith.constant 0 : i32
      %dma_start3A_413 = tpu.memref_slice %arg8[%dma_start3A_411, %dma_start3A_412] : memref<80x128xf32, #tpu.memory_space<vmem>> -> memref<64x128xf32, #tpu.memory_space<vmem>>
      %dma_start3A_414 = arith.constant 0 : i32
      %dma_start3A_415 = tpu.memref_slice %arg15[%add3A_400, %dma_start3A_414] : memref<4096x128xf32, #tpu.memory_space<vmem_shared>> -> memref<64x128xf32, #tpu.memory_space<vmem_shared>>
      %dma_start3A_416 = arith.constant 0 : i32
      %dma_start3A_417 = arith.constant 0 : i32
      %dma_start3A_418 = tpu.memref_slice %arg8[%dma_start3A_416, %dma_start3A_417] : memref<80x128xf32, #tpu.memory_space<vmem>> -> memref<64x128xf32, #tpu.memory_space<vmem>>
      %dma_start3A_419 = arith.constant 0 : i32
      %dma_start3A_420 = tpu.memref_slice %arg15[%add3A_400, %dma_start3A_419] : memref<4096x128xf32, #tpu.memory_space<vmem_shared>> -> memref<64x128xf32, #tpu.memory_space<vmem_shared>>
      tpu.enqueue_dma source(%dma_start3A_420 : memref<64x128xf32, #tpu.memory_space<vmem_shared>>) target(%dma_start3A_418 : memref<64x128xf32, #tpu.memory_space<vmem>>) target_semaphore(%run_scoped3A : memref<!tpu.dma_semaphore, #tpu.memory_space<semaphore_mem>>)
      %dma_wait3A_421 = arith.constant 0 : i32
      %dma_wait3A_422 = arith.constant 0 : i32
      %dma_wait3A_423 = tpu.memref_slice %arg8[%dma_wait3A_421, %dma_wait3A_422] : memref<80x128xf32, #tpu.memory_space<vmem>> -> memref<64x128xf32, #tpu.memory_space<vmem>>
      %dma_wait3A_424 = arith.constant 0 : i32
      %dma_wait3A_425 = tpu.memref_slice %arg15[%add3A_400, %dma_wait3A_424] : memref<4096x128xf32, #tpu.memory_space<vmem_shared>> -> memref<64x128xf32, #tpu.memory_space<vmem_shared>>
      %dma_wait3A_426 = arith.constant 0 : i32
      %dma_wait3A_427 = arith.constant 0 : i32
      %dma_wait3A_428 = tpu.memref_slice %arg8[%dma_wait3A_426, %dma_wait3A_427] : memref<80x128xf32, #tpu.memory_space<vmem>> -> memref<64x128xf32, #tpu.memory_space<vmem>>
      %dma_wait3A_429 = arith.constant 0 : i32
      %dma_wait3A_430 = tpu.memref_slice %arg15[%add3A_400, %dma_wait3A_429] : memref<4096x128xf32, #tpu.memory_space<vmem_shared>> -> memref<64x128xf32, #tpu.memory_space<vmem_shared>>
      tpu.wait_dma2 semaphore(%run_scoped3A : memref<!tpu.dma_semaphore, #tpu.memory_space<semaphore_mem>>) src(%dma_wait3A_430 : memref<64x128xf32, #tpu.memory_space<vmem_shared>>) dst(%dma_wait3A_428 : memref<64x128xf32, #tpu.memory_space<vmem>>)
      tpu.yield
    }) : () -> ()
    %mul3A_401 = arith.constant 4096 : i32
    %mul3A_402 = arith.muli %arg0, %mul3A_401 : i32
    %add3A_403 = arith.addi %mul3A_402, %add3A_400 : i32
    "tpu.region"() ({
      %run_scoped3A = tpu.sem_alloc : memref<!tpu.dma_semaphore, #tpu.memory_space<semaphore_mem>>
      %dma_start3A_411 = arith.constant 0 : i32
      %dma_start3A_412 = arith.constant 0 : i32
      %dma_start3A_413 = tpu.memref_slice %arg8[%dma_start3A_411, %dma_start3A_412] : memref<80x128xf32, #tpu.memory_space<vmem>> -> memref<64x128xf32, #tpu.memory_space<vmem>>
      %dma_start3A_414 = arith.constant 0 : i32
      %dma_start3A_415 = tpu.memref_slice %arg6[%add3A_403, %dma_start3A_414] : memref<8192x128xf32, #tpu.memory_space<hbm>> -> memref<64x128xf32, #tpu.memory_space<hbm>>
      %dma_start3A_416 = arith.constant 0 : i32
      %dma_start3A_417 = tpu.memref_slice %arg6[%add3A_403, %dma_start3A_416] : memref<8192x128xf32, #tpu.memory_space<hbm>> -> memref<64x128xf32, #tpu.memory_space<hbm>>
      %dma_start3A_418 = arith.constant 0 : i32
      %dma_start3A_419 = arith.constant 0 : i32
      %dma_start3A_420 = tpu.memref_slice %arg8[%dma_start3A_418, %dma_start3A_419] : memref<80x128xf32, #tpu.memory_space<vmem>> -> memref<64x128xf32, #tpu.memory_space<vmem>>
      tpu.enqueue_dma source(%dma_start3A_420 : memref<64x128xf32, #tpu.memory_space<vmem>>) target(%dma_start3A_417 : memref<64x128xf32, #tpu.memory_space<hbm>>) target_semaphore(%run_scoped3A : memref<!tpu.dma_semaphore, #tpu.memory_space<semaphore_mem>>)
      %dma_wait3A_421 = arith.constant 0 : i32
      %dma_wait3A_422 = arith.constant 0 : i32
      %dma_wait3A_423 = tpu.memref_slice %arg8[%dma_wait3A_421, %dma_wait3A_422] : memref<80x128xf32, #tpu.memory_space<vmem>> -> memref<64x128xf32, #tpu.memory_space<vmem>>
      %dma_wait3A_424 = arith.constant 0 : i32
      %dma_wait3A_425 = tpu.memref_slice %arg6[%add3A_403, %dma_wait3A_424] : memref<8192x128xf32, #tpu.memory_space<hbm>> -> memref<64x128xf32, #tpu.memory_space<hbm>>
      %dma_wait3A_426 = arith.constant 0 : i32
      %dma_wait3A_427 = tpu.memref_slice %arg6[%add3A_403, %dma_wait3A_426] : memref<8192x128xf32, #tpu.memory_space<hbm>> -> memref<64x128xf32, #tpu.memory_space<hbm>>
      %dma_wait3A_428 = arith.constant 0 : i32
      %dma_wait3A_429 = arith.constant 0 : i32
      %dma_wait3A_430 = tpu.memref_slice %arg8[%dma_wait3A_428, %dma_wait3A_429] : memref<80x128xf32, #tpu.memory_space<vmem>> -> memref<64x128xf32, #tpu.memory_space<vmem>>
      tpu.wait_dma2 semaphore(%run_scoped3A : memref<!tpu.dma_semaphore, #tpu.memory_space<semaphore_mem>>) src(%dma_wait3A_430 : memref<64x128xf32, #tpu.memory_space<vmem>>) dst(%dma_wait3A_427 : memref<64x128xf32, #tpu.memory_space<hbm>>)
      tpu.yield
    }) : () -> ()
    %mul3A_404 = arith.constant 256 : i32
    %mul3A_405 = arith.muli %arg1, %mul3A_404 : i32
    %add3A_406 = arith.constant 192 : i32
    %add3A_407 = arith.addi %mul3A_405, %add3A_406 : i32
    "tpu.region"() ({
      %run_scoped3A = tpu.sem_alloc : memref<!tpu.dma_semaphore, #tpu.memory_space<semaphore_mem>>
      %dma_start3A_411 = arith.constant 0 : i32
      %dma_start3A_412 = arith.constant 0 : i32
      %dma_start3A_413 = tpu.memref_slice %arg8[%dma_start3A_411, %dma_start3A_412] : memref<80x128xf32, #tpu.memory_space<vmem>> -> memref<64x128xf32, #tpu.memory_space<vmem>>
      %dma_start3A_414 = arith.constant 0 : i32
      %dma_start3A_415 = tpu.memref_slice %arg15[%add3A_407, %dma_start3A_414] : memref<4096x128xf32, #tpu.memory_space<vmem_shared>> -> memref<64x128xf32, #tpu.memory_space<vmem_shared>>
      %dma_start3A_416 = arith.constant 0 : i32
      %dma_start3A_417 = arith.constant 0 : i32
      %dma_start3A_418 = tpu.memref_slice %arg8[%dma_start3A_416, %dma_start3A_417] : memref<80x128xf32, #tpu.memory_space<vmem>> -> memref<64x128xf32, #tpu.memory_space<vmem>>
      %dma_start3A_419 = arith.constant 0 : i32
      %dma_start3A_420 = tpu.memref_slice %arg15[%add3A_407, %dma_start3A_419] : memref<4096x128xf32, #tpu.memory_space<vmem_shared>> -> memref<64x128xf32, #tpu.memory_space<vmem_shared>>
      tpu.enqueue_dma source(%dma_start3A_420 : memref<64x128xf32, #tpu.memory_space<vmem_shared>>) target(%dma_start3A_418 : memref<64x128xf32, #tpu.memory_space<vmem>>) target_semaphore(%run_scoped3A : memref<!tpu.dma_semaphore, #tpu.memory_space<semaphore_mem>>)
      %dma_wait3A_421 = arith.constant 0 : i32
      %dma_wait3A_422 = arith.constant 0 : i32
      %dma_wait3A_423 = tpu.memref_slice %arg8[%dma_wait3A_421, %dma_wait3A_422] : memref<80x128xf32, #tpu.memory_space<vmem>> -> memref<64x128xf32, #tpu.memory_space<vmem>>
      %dma_wait3A_424 = arith.constant 0 : i32
      %dma_wait3A_425 = tpu.memref_slice %arg15[%add3A_407, %dma_wait3A_424] : memref<4096x128xf32, #tpu.memory_space<vmem_shared>> -> memref<64x128xf32, #tpu.memory_space<vmem_shared>>
      %dma_wait3A_426 = arith.constant 0 : i32
      %dma_wait3A_427 = arith.constant 0 : i32
      %dma_wait3A_428 = tpu.memref_slice %arg8[%dma_wait3A_426, %dma_wait3A_427] : memref<80x128xf32, #tpu.memory_space<vmem>> -> memref<64x128xf32, #tpu.memory_space<vmem>>
      %dma_wait3A_429 = arith.constant 0 : i32
      %dma_wait3A_430 = tpu.memref_slice %arg15[%add3A_407, %dma_wait3A_429] : memref<4096x128xf32, #tpu.memory_space<vmem_shared>> -> memref<64x128xf32, #tpu.memory_space<vmem_shared>>
      tpu.wait_dma2 semaphore(%run_scoped3A : memref<!tpu.dma_semaphore, #tpu.memory_space<semaphore_mem>>) src(%dma_wait3A_430 : memref<64x128xf32, #tpu.memory_space<vmem_shared>>) dst(%dma_wait3A_428 : memref<64x128xf32, #tpu.memory_space<vmem>>)
      tpu.yield
    }) : () -> ()
    %mul3A_408 = arith.constant 4096 : i32
    %mul3A_409 = arith.muli %arg0, %mul3A_408 : i32
    %add3A_410 = arith.addi %mul3A_409, %add3A_407 : i32
    "tpu.region"() ({
      %run_scoped3A = tpu.sem_alloc : memref<!tpu.dma_semaphore, #tpu.memory_space<semaphore_mem>>
      %dma_start3A_411 = arith.constant 0 : i32
      %dma_start3A_412 = arith.constant 0 : i32
      %dma_start3A_413 = tpu.memref_slice %arg8[%dma_start3A_411, %dma_start3A_412] : memref<80x128xf32, #tpu.memory_space<vmem>> -> memref<64x128xf32, #tpu.memory_space<vmem>>
      %dma_start3A_414 = arith.constant 0 : i32
      %dma_start3A_415 = tpu.memref_slice %arg6[%add3A_410, %dma_start3A_414] : memref<8192x128xf32, #tpu.memory_space<hbm>> -> memref<64x128xf32, #tpu.memory_space<hbm>>
      %dma_start3A_416 = arith.constant 0 : i32
      %dma_start3A_417 = tpu.memref_slice %arg6[%add3A_410, %dma_start3A_416] : memref<8192x128xf32, #tpu.memory_space<hbm>> -> memref<64x128xf32, #tpu.memory_space<hbm>>
      %dma_start3A_418 = arith.constant 0 : i32
      %dma_start3A_419 = arith.constant 0 : i32
      %dma_start3A_420 = tpu.memref_slice %arg8[%dma_start3A_418, %dma_start3A_419] : memref<80x128xf32, #tpu.memory_space<vmem>> -> memref<64x128xf32, #tpu.memory_space<vmem>>
      tpu.enqueue_dma source(%dma_start3A_420 : memref<64x128xf32, #tpu.memory_space<vmem>>) target(%dma_start3A_417 : memref<64x128xf32, #tpu.memory_space<hbm>>) target_semaphore(%run_scoped3A : memref<!tpu.dma_semaphore, #tpu.memory_space<semaphore_mem>>)
      %dma_wait3A_421 = arith.constant 0 : i32
      %dma_wait3A_422 = arith.constant 0 : i32
      %dma_wait3A_423 = tpu.memref_slice %arg8[%dma_wait3A_421, %dma_wait3A_422] : memref<80x128xf32, #tpu.memory_space<vmem>> -> memref<64x128xf32, #tpu.memory_space<vmem>>
      %dma_wait3A_424 = arith.constant 0 : i32
      %dma_wait3A_425 = tpu.memref_slice %arg6[%add3A_410, %dma_wait3A_424] : memref<8192x128xf32, #tpu.memory_space<hbm>> -> memref<64x128xf32, #tpu.memory_space<hbm>>
      %dma_wait3A_426 = arith.constant 0 : i32
      %dma_wait3A_427 = tpu.memref_slice %arg6[%add3A_410, %dma_wait3A_426] : memref<8192x128xf32, #tpu.memory_space<hbm>> -> memref<64x128xf32, #tpu.memory_space<hbm>>
      %dma_wait3A_428 = arith.constant 0 : i32
      %dma_wait3A_429 = arith.constant 0 : i32
      %dma_wait3A_430 = tpu.memref_slice %arg8[%dma_wait3A_428, %dma_wait3A_429] : memref<80x128xf32, #tpu.memory_space<vmem>> -> memref<64x128xf32, #tpu.memory_space<vmem>>
      tpu.wait_dma2 semaphore(%run_scoped3A : memref<!tpu.dma_semaphore, #tpu.memory_space<semaphore_mem>>) src(%dma_wait3A_430 : memref<64x128xf32, #tpu.memory_space<vmem>>) dst(%dma_wait3A_427 : memref<64x128xf32, #tpu.memory_space<hbm>>)
      tpu.yield
    }) : () -> ()
    return
  }
}

</mosaic_0001>

<sc_bundles>
// kernel: _sc_segsum.3.cloned.1.call-start
scs
__scs_entry_jumppad:
0x0: {  	(pc) =	sbr.rel $0x88, $3  }
0x1: {  	(tag) =	ssettag $0x0;
	lr =	simm.s32 $0x1  }
0x2: {  	[smem:$0x3F9F] =	sst lr;
	_ =	strace $0xD0000000  }
0x3: {  	_ = 	snop  }
0x4: {  	_ = 	snop  }
0x5: {  	_ = 	snop  }
0x6: {  	_ = 	snop  }
0x7: {  	_ = 	snop  }
__scs_overlays_trampoline_lowered:
0x8: {  	[smem:$0x3FAE] =	sst s0  }
0x9: {  	[smem:$0x3FAF] =	sst s1  }
0xa: {  	[smem:$0x3FB0] =	sst s2  }
0xb: {  	[smem:$0x3FB1] =	sst s3  }
0xc: {  	[smem:$0x3FB2] =	sst s4  }
0xd: {  	[smem:$0x3FB3] =	sst s5  }
0xe: {  	[smem:$0x3FB4] =	sst s6  }
0xf: {  	[smem:$0x3FB5] =	sst s7  }
0x10: {  	[smem:$0x3FB6] =	sst s8  }
0x11: {  	[smem:$0x3FB7] =	sst s9;
	s0 =	simm.s32 @!p0 $0x0  }
0x12: {  	s1 =	sld [smem:$0x3F9D];
	s0 =	simm.s32 @p0 $0x1  }
0x13: {  	[smem:$0x3FB8] =	sst s0;
	s0 =	simm.s32 @!p1 $0x0  }
0x14: {  	s2 =	sld [smem:$0x3F9C];
	s0 =	simm.s32 @p1 $0x1  }
0x15: {  	[smem:$0x3FB9] =	sst s0;
	s0 =	simm.s32 @!p2 $0x0  }
0x16: {  	s3 =	sld [smem:$0x3FDB];
	s0 =	simm.s32 @p2 $0x1  }
0x17: {  	s4 =	simm.s32 $0x1BF5;
	[smem:$0x3FBB] =	sst s0  }
0x18: {  	s0 =	sld [smem:$0x3F9E];
	_ =	swait.ge [sflag:s4], $0x0  }
0x19: {  	s7 =	sld [smem:$0x3F9F]  }
0x1a: {  	s8 =	sadd.s32 $0xFFFFE003, lr  }
0x1b: {  	s9 =	sadd.s32 $0xFFFFFEF7, lr;
	s5 =	simm.s32 $0xFFFFFFFF;
	p2 =	slt.u32 s8, $0xFFFFF086  }
0x1c: {  	p1 =	slt.u32 s9, $0xF7A;
	s5 =	simm.s32 @!p2 $0x0  }
0x1d: {  	s5 =	simm.s32 @p1 $0x1;
	p0 =	seq.s32 s7, s2  }
0x1e: {  	s7 =	smul.u32 @!p0 $0xF7A, s2;
	p2 =	seq.s32 @!p0 s5, $0x0  }
0x1f: {  	s9 =	smul.u32 $0xF7A, s1;
	s8 =	simm.s32 @!p0 $0x1BF5;
	p2 =	por !p2, p0  }
0x20: {  	[sflag:s8] =	ssyncset.s32 @!p0 $0xFFFFF086;
	s6 =	sadd.s32 @!p0 s3, s7;
	s7 =	simm.s32 @!p0 $0x108  }
0x21: {  	s3 =	sadd.s32 s3, s9;
	s6 =	sadd.s32 @!p0 $0x88, s6;
	s7 =	simm.s32 @p2 $0x1082  }
0x22: {  	[simem:s7], [sflag:s8] =	dma.local @!p0 [hbm:s6], $0xF7A  }
0x23: {  	s9 =	sor.u32 $0xD0000000, s2;
	s6 =	simm.s32 $0x108;
	_ =	swait.ge @!p0 [sflag:s8], $0x0  }
0x24: {  	s3 =	sadd.s32 $0x88, s3;
	s6 =	simm.s32 @!p1 $0x1082;
	[sflag:s4] =	ssyncset.s32 $0xFFFFF086  }
0x25: {  	[simem:s6], [sflag:s4] =	dma.local [hbm:s3], $0xF7A  }
0x26: {  	[smem:$0x3F9F] =	sst s1;
	(tag) =	ssettag s2;
	_ =	strace s9  }
0x27: {  	s1 =	sld [smem:$0x3FAF]  }
0x28: {  	s2 =	sld [smem:$0x3FB0]  }
0x29: {  	s4 =	sld [smem:$0x3FB2]  }
0x2a: {  	p0 =	seq.s32 s5, $0x0;
	s5 =	sld [smem:$0x3FB3]  }
0x2b: {  	s6 =	sld [smem:$0x3FB4]  }
0x2c: {  	s7 =	sld [smem:$0x3FB5]  }
0x2d: {  	s3 =	simm.s32 $0x108;
	s8 =	sld [smem:$0x3FB6]  }
0x2e: {  	s3 =	simm.s32 @!p0 $0x1082;
	s9 =	sld [smem:$0x3FB7]  }
0x2f: {  	lr =	sadd.s32 s0, s3;
	s0 =	sld [smem:$0x3FAE]  }
0x30: {  	s3 =	sld [smem:$0x3FB1]  }
0x31: {  	[smem:$0x3FBA] =	sst s10  }
0x32: {  	s10 =	sld [smem:$0x3FB8];
	_ =	sdelay $0x3  }
0x33: {  	p0 =	seq.s32 s10, $0x1;
	s10 =	sld [smem:$0x3FBA];
	_ =	sdelay $0x3  }
0x34: {  	[smem:$0x3FBA] =	sst s10  }
0x35: {  	s10 =	sld [smem:$0x3FB9];
	_ =	sdelay $0x3  }
0x36: {  	p1 =	seq.s32 s10, $0x1;
	s10 =	sld [smem:$0x3FBA];
	_ =	sdelay $0x3  }
0x37: {  	[smem:$0x3FBA] =	sst s10  }
0x38: {  	s10 =	sld [smem:$0x3FBB]  }
0x39: {  	_ = 	snop;
	(pc) =	sbr.ind lr, $3  }
0x3a: {  	_ = 	snop  }
0x3b: {  	_ = 	snop  }
0x3c: {  	p2 =	seq.s32 s10, $0x1;
	s10 =	sld [smem:$0x3FBA]  }
0x3d: {  	_ =	shalt  }
0x3e: {  	_ =	shalt  }
0x3f: {  	_ =	shalt  }
0x40: {  	_ =	shalt  }
0x41: {  	_ =	shalt  }
0x42: {  	_ =	shalt  }
0x43: {  	_ =	shalt  }
0x44: {  	_ =	shalt  }
0x45: {  	_ =	shalt  }
0x46: {  	_ =	shalt  }
0x47: {  	_ =	shalt  }
0x48: {  	_ =	shalt  }
0x49: {  	_ =	shalt  }
0x4a: {  	_ =	shalt  }
0x4b: {  	_ =	shalt  }
0x4c: {  	_ =	shalt  }
0x4d: {  	_ =	shalt  }
0x4e: {  	_ =	shalt  }
0x4f: {  	_ =	shalt  }
0x50: {  	_ =	shalt  }
0x51: {  	_ =	shalt  }
0x52: {  	_ =	shalt  }
0x53: {  	_ =	shalt  }
0x54: {  	_ =	shalt  }
0x55: {  	_ =	shalt  }
0x56: {  	_ =	shalt  }
0x57: {  	_ =	shalt  }
0x58: {  	_ =	shalt  }
0x59: {  	_ =	shalt  }
0x5a: {  	_ =	shalt  }
0x5b: {  	_ =	shalt  }
0x5c: {  	_ =	shalt  }
0x5d: {  	_ =	shalt  }
0x5e: {  	_ =	shalt  }
0x5f: {  	_ =	shalt  }
0x60: {  	_ =	shalt  }
0x61: {  	_ =	shalt  }
0x62: {  	_ =	shalt  }
0x63: {  	_ =	shalt  }
0x64: {  	_ =	shalt  }
0x65: {  	_ =	shalt  }
0x66: {  	_ =	shalt  }
0x67: {  	_ =	shalt  }
0x68: {  	_ =	shalt  }
0x69: {  	_ =	shalt  }
0x6a: {  	_ =	shalt  }
0x6b: {  	_ =	shalt  }
0x6c: {  	_ =	shalt  }
0x6d: {  	_ =	shalt  }
0x6e: {  	_ =	shalt  }
0x6f: {  	_ =	shalt  }
0x70: {  	_ =	shalt  }
0x71: {  	_ =	shalt  }
0x72: {  	_ =	shalt  }
0x73: {  	_ =	shalt  }
0x74: {  	_ =	shalt  }
0x75: {  	_ =	shalt  }
0x76: {  	_ =	shalt  }
0x77: {  	_ =	shalt  }
0x78: {  	_ =	shalt  }
0x79: {  	_ =	shalt  }
0x7a: {  	_ =	shalt  }
0x7b: {  	_ =	shalt  }
0x7c: {  	_ =	shalt  }
0x7d: {  	_ =	shalt  }
0x7e: {  	_ =	shalt  }
0x7f: {  	_ =	shalt  }
0x80: {  	_ =	shalt  }
0x81: {  	_ =	shalt  }
0x82: {  	_ =	shalt  }
0x83: {  	_ =	shalt  }
0x84: {  	_ =	shalt  }
0x85: {  	_ =	shalt  }
0x86: {  	_ =	shalt  }
0x87: {  	_ =	shalt  }
.Lfunc_end0:
.L_simem_size_0:
called_computation_lowered:
.L_overlay_start_0:
0x88: {  	s2 =	sld [smem:$0x3FD9]  }
0x89: {  	s3 =	sld [smem:$0x3FFE];
	_ =	sdelay $0x1  }
0x8a: {  	s1 =	srdreg.scid  }
0x8b: {  	s0 =	sand.u32 $0x1, s1  }
0x8c: {  	s14 =	sshll.u32 s0, $0xA;
	s2 =	sadd.s32 s3, s2  }
0x8d: {  	s2 =	sadd.s32 s2, s14  }
0x8e: {  	[smem:$0x3FC6] =	sst s2  }
0x8f: {  	_ = 	snop  }
0x90: {  	s2 =	sld [smem:$0x3FD0];
	_ =	sdelay $0x2  }
0x91: {  	s4 =	simm.s32 $0xA;
	s5 =	simm.s32 $0x10;
	s15 =	sld [smem:$0x3FC9]  }
0x92: {  	[smem:s5], [sflag:s4] =	dma.local [hbm:s2], $0x1  }
0x93: {  	_ =	swait.eq [sflag:s4], $0x1  }
0x94: {  	[sflag:s4] =	ssyncset.done $0x0  }
0x95: {  	s16 =	sld [smem:$0x10];
	[sflag:s4] =	ssyncadd.s32 $0xFFFFFFFF  }
0x96: {  	s17 =	sld [smem:$0x11];
	(tm) =	ssettm $0x1  }
0x97: {  	s18 =	sld [smem:$0x3FFB];
	_ =	sdelay $0x3  }
0x98: {  	_ =	strace s18  }
0x99: {  	s5 =	sld [smem:$0x3FFC];
	_ =	sdelay $0x3  }
0x9a: {  	_ =	strace s5  }
0x9b: {  	s5 =	sld [smem:$0x3FFD];
	_ =	sdelay $0x3  }
0x9c: {  	_ =	strace s5  }
0x9d: {  	_ =	strace $0x8FFFFFFF  }
0x9e: {  	s19 =	sld [smem:$0x3FDB];
	_ =	sdelay $0x1  }
0x9f: {  	s6 =	simm.s32 $_scs_section_size  }
0xa0: {  	s7 =	simm.s32 $_size__tile_overlayer_lowered;
	s8 =	simm.s32 $_tile_overlayer_lowered  }
0xa1: {  	s22 =	simm.s32 $0x1BFF;
	s21 =	sshll.u32 s8, $0x1;
	s5 =	sadd.s32 s6, s19  }
0xa2: {  	s9 =	simm.s32 $0x0;
	s20 =	sshll.u32 s7, $0x1;
	s7 =	sadd.s32 s21, s5  }
0xa3: {  	[timem:s9], [sflag:s22] =	dma.local [hbm:s7], s20  }
0xa4: {  	_ =	swait.ge [sflag:s22], s20  }
0xa5: {  	s6 =	ssub.s32 $0x0, s20;
	[sflag:s22] =	ssyncset.done $0x0  }
0xa6: {  	[sflag:s22] =	ssyncadd.s32 s6;
	_ =	sdelay $0x1  }
0xa7: {  	s23 =	simm.s32 $0x1B8B  }
0xa8: {  	_ =	swait.ge [sflag:s23], $0x1  }
0xa9: {  	[sflag:s23] =	ssyncset.done $0x0  }
0xaa: {  	s25 =	simm.s32 $0x1B8E;
	s24 =	sld [smem:$0x3FFE];
	[sflag:s23] =	ssyncadd.s32 $0xFFFFFFFF  }
0xab: {  	s26 =	simm.s32 $execute0_lowered;
	[smem:$0x3FD2] =	sst s25  }
0xac: {  	s7 =	sshll.u32 s26, $0x1;
	_ =	strace $0x80000046;
	[dreg:$0x1] =	wrdreg $0xFFFFFFFF  }
0xad: {  	s28 =	simm.s32 $_size_execute0_lowered;
	s5 =	sadd.s32 s5, s7;
	[dreg:$0x0] =	wrdreg $0x0  }
0xae: {  	s7 =	sshll.u32 s28, $0x1;
	[dreg:$0x2] =	wrdreg s5  }
0xaf: {  	[dreg:$0x3] =	wrdreg s7  }
0xb0: {  	[dreg:$0x4] =	wrdreg $0xC0  }
0xb1: {  	_ =	task [dreg:s9], $0x5FFFF  }
0xb2: {  	[dreg:$0x1] =	wrdreg $0xFFFFFFFF  }
0xb3: {  	[dreg:$0x0] =	wrdreg $0x60  }
0xb4: {  	[dreg:$0x2] =	wrdreg s15  }
0xb5: {  	[dreg:$0x3] =	wrdreg s24  }
0xb6: {  	[dreg:$0x4] =	wrdreg s16  }
0xb7: {  	[dreg:$0x5] =	wrdreg s17  }
0xb8: {  	[dreg:$0x6] =	wrdreg $0x103000  }
0xb9: {  	[dreg:$0x7] =	wrdreg $0x9  }
0xba: {  	_ =	task.clear_ibuf [dreg:s9], $0x8FFFF;
	_ =	strace $0x90000046  }
0xbb: {  	s29 =	simm.s32 $0x9;
	_ =	strace $0x80000048  }
0xbc: {  	_ =	swait.ge [sflag:s29], $0x1  }
0xbd: {  	[sflag:s29] =	ssyncadd.s32 $0xFFFFFFFF  }
0xbe: {  	_ =	strace $0x90000048  }
0xbf: {  	_ =	sfence  }
0xc0: {  	s30 =	sld [smem:$0x0];
	_ =	sdelay $0x2  }
0xc1: {  	s31 =	sshll.u32 s1, $0xD;
	s1 =	sshrl.u32 s1, $0x2  }
0xc2: {  	s3 =	sand.u32 $0x4000, s31;
	s1 =	sadd.s32 s1, s30  }
0xc3: {  	s0 =	sor.u32 s3, s0;
	s1 =	sshll.u32 s1, $0x11  }
0xc4: {  	s0 =	sor.u32 s1, s0  }
0xc5: {  	s0 =	sadd.s32 $0x8F2B, s0  }
0xc6: {  	[sflag:s0] =	ssyncadd.remote.s32 $0x1  }
0xc7: {  	_ =	sfence.sel $0xFFFF  }
0xc8: {  	[dreg:$0x0] =	wrdreg $0xFFFFFFFF;
	(pc) =	sbr.abs _section_cstart, $3  }
0xc9: {  	[dreg:$0x1] =	wrdreg $0xFFFFFFFF  }
0xca: {  	_ =	task.clear_ibuf [dreg:s9], $0x2FFFF;
	_ =	strace $0x9FFFFFFF  }
0xcb: {  	(tm) =	ssettm $0x7FFFFFFF  }
tec
execute0_lowered:
.L_overlay_start_1:
0x0: {  	(tag) =	ssettag $0x1  }
0x1: {  	s1 =	rddreg [dreg:$0x0]  }
0x2: {  	s0 =	rddreg [dreg:$0x1]  }
0x3: {  	s3 =	rddreg [dreg:$0x2]  }
0x4: {  	s6 =	rddreg [dreg:$0x3]  }
0x5: {  	s2 =	rddreg [dreg:$0x4]  }
0x6: {  	s4 =	srdreg.scid;
	s20 =	stileid.u32;
	s30 =	simm.s32 $0x5  }
0x7: {  	s8 =	sand.u32 $0x1, s4;
	s4 =	simm.s32 $0x0;
	s11 =	sshll.u32 s20, $0x8  }
0x8: {  	s12 =	sshll.u32 s20, $0xF;
	s5 =	sshll.u32 s8, $0x4;
	[smem:$0x7FF] =	sst s4  }
0x9: {  	s7 =	ssub.s32 $0x2, s8;
	s13 =	sor.u32 $0x40, s11;
	s12 =	sadd.s32 s12, s2  }
0xa: {  	s15 =	sor.u32 $0x80, s11;
	s17 =	sor.u32 $0xC0, s11;
	s8 =	sshll.u32 s8, $0xC  }
0xb: {  	s9 =	sor.u32 s20, s5;
	_ =	strace $0x80000047;
	s26 =	sshrl.u32 s7, $0x1  }
0xc: {  	[dreg:$0x8] =	wrdreg s12;
	s29 =	sshll.u32 s13, $0x7;
	s16 =	sshll.u32 s15, $0x7  }
0xd: {  	s18 =	sshll.u32 s17, $0x7;
	s25 =	sor.u32 s8, s13;
	s28 =	smul.u32 $0x2710, s9  }
0xe: {  	s5 =	sshll.u32 s9, $0xB;
	s14 =	smul.u32 $0x27100, s9;
	s12 =	sadd.s32 s29, s2  }
0xf: {  	s19 =	smul.u32 $0x138800, s9;
	s31 =	sadd.s32 s16, s2;
	[dreg:$0x9] =	wrdreg s12  }
0x10: {  	s2 =	sadd.s32 s18, s2;
	s10 =	sadd.s32 s5, s0;
	[dreg:$0xa] =	wrdreg s31  }
0x11: {  	s5 =	sadd.s32 $0x600, s0;
	s0 =	sadd.s32 $0x1A600, s0;
	[dreg:$0xb] =	wrdreg s2  }
0x12: {  	s18 =	sshll.u32 s20, $0x7;
	s20 =	sor.u32 s11, s8;
	[dreg:$0x6] =	wrdreg s0  }
0x13: {  	s0 =	ssub.s32 s7, s26;
	s10 =	sadd.s32 $0xA600, s10;
	s14 =	sadd.s32 s1, s14  }
0x14: {  	s16 =	sshrl.u32 s19, $0x3;
	s21 =	sadd.s32 $0xF0, s28;
	[dreg:$0x7] =	wrdreg s28  }
0x15: {  	s23 =	sadd.s32 $0x140, s28;
	s26 =	sor.u32 s8, s15;
	[dreg:$0xc] =	wrdreg s10  }
0x16: {  	s8 =	sor.u32 s8, s17;
	[dreg:$0xd] =	wrdreg s14;
	s10 =	sadd.s32 s1, s16  }
0x17: {  	s14 =	sshll.u32 s9, $0x7;
	s9 =	sand.u32 $0x380, s18;
	[dreg:$0xf] =	wrdreg s21  }
0x18: {  	[dreg:$0x11] =	wrdreg s23;
	s8 =	sshll.u32 s8, $0x4;
	s0 =	smax.u32 s0, $0x1  }
0x19: {  	s19 =	sand.u32 $0xC00, s14;
	s1 =	sadd.s32 $0x500, s10;
	[dreg:$0x16] =	wrdreg s0  }
0x1a: {  	s10 =	sshll.u32 s20, $0x4;
	s31 =	sadd.s32 s3, s8;
	[dreg:$0xe] =	wrdreg s1  }
0x1b: {  	s9 =	sor.u32 s9, s19;
	s24 =	sadd.s32 s3, s10;
	[dreg:$0x15] =	wrdreg s31  }
.Ltmp0:
0x1c: {  	s1 =	simm.s32 $0x7;
	s9 =	sshrl.u32 s9, $0x3;
	(pc) =	sbr.rel .LBB2_1-.Ltmp0, $4  }
0x1d: {  	[dreg:$0x12] =	wrdreg s24;
	s22 =	sadd.s32 s6, s9;
	s6 =	sshll.u32 s25, $0x4  }
0x1e: {  	s9 =	sshll.u32 s26, $0x4;
	[dreg:$0x10] =	wrdreg s22;
	s28 =	sadd.s32 s3, s6  }
0x1f: {  	s25 =	simm.s32 $0x4;
	s29 =	sadd.s32 s3, s9;
	[dreg:$0x13] =	wrdreg s28  }
0x20: {  	v0 =	vimm.f32 $0.0e+00;
	v1 =	vlaneseq.u32;
	s9 =	simm.s32 $0x2800;
	s3 =	simm.s32 $0x0;
	[dreg:$0x14] =	wrdreg s29  }
.LBB2_17:
0x21: {  	s0 =	simm.s32 $0x1  }
0x22: {  	_ =	swait.ge [sflag:s0], $0x2800  }
0x23: {  	[sflag:s0] =	ssyncset.done $0x0  }
0x24: {  	s15 =	simm.s32 $0xB580;
	s16 =	simm.s32 $0x6;
	[sflag:s0] =	ssyncadd.s32 $0xFFFFD800  }
0x25: {  	[spmem:s3] =	stream.indirect.scatter.add.f32 [tilespmem:s4], [sflag:$0x4], $0x80, s15, s8, $0xb8;
	[tilespmem:$0x18300] =	vst v63  }
0x26: {  	_ =	swait.ge [sflag:s16], $0x2800  }
0x27: {  	[sflag:s16] =	ssyncset.done $0x0  }
0x28: {  	s17 =	simm.s32 $0x2;
	[sflag:s16] =	ssyncadd.s32 $0xFFFFD800  }
0x29: {  	_ =	swait.ge [sflag:s17], $0x2800  }
0x2a: {  	[sflag:s17] =	ssyncset.done $0x0  }
0x2b: {  	s18 =	simm.s32 $0xB600;
	[sflag:s17] =	ssyncadd.s32 $0xFFFFD800  }
0x2c: {  	[spmem:s3] =	stream.indirect.scatter.add.f32 [tilespmem:s9], [sflag:$0x5], $0x80, s18, s8, $0xb8;
	[tilespmem:$0x18300] =	vst v63  }
0x2d: {  	_ =	swait.ge [sflag:s25], $0x2800  }
0x2e: {  	[sflag:s25] =	ssyncset.done $0x0  }
0x2f: {  	[sflag:s25] =	ssyncadd.s32 $0xFFFFD800  }
0x30: {  	_ =	swait.ge [sflag:s30], $0x2800  }
0x31: {  	[sflag:s30] =	ssyncset.done $0x0  }
0x32: {  	s1 =	simm.s32 $0x10280;
	s19 =	rddreg [dreg:$0x10];
	[sflag:s30] =	ssyncadd.s32 $0xFFFFD800  }
0x33: {  	[hbm4b:s19+s4] =	stream.linear.scatter [tilespmem:s1], [sflag:$0x7], $0x80, $0x38;
	[tilespmem:$0x18300] =	vst v63  }
0x34: {  	s1 =	simm.s32 $0x7  }
0x35: {  	_ =	swait.ge [sflag:s1], $0x80  }
0x36: {  	[sflag:s1] =	ssyncset.done $0x0  }
0x37: {  	[sflag:s1] =	ssyncadd.s32 $0xFFFFFF80  }
0x38: {  	[bflag:$0x0] =	sbarrier.arrive $0xFFFF  }
0x39: {  	s20 =	rddreg [dreg:$0x8]  }
0x3a: {  	[tilespmem:s4], [sflag:$0x7] =	stream.linear.gather [spmem:s20], $0x2000, $0x38;
	[tilespmem:$0x18300] =	vst v63  }
0x3b: {  	_ =	swait.ge [sflag:s1], $0x2000  }
0x3c: {  	[sflag:s1] =	ssyncset.done $0x0  }
0x3d: {  	s21 =	rddreg [dreg:$0x12];
	[sflag:s1] =	ssyncadd.s32 $0xFFFFE000  }
0x3e: {  	[hbm4b:s21+s4] =	stream.linear.scatter [tilespmem:s4], [sflag:$0x7], $0x2000, $0x38;
	[tilespmem:$0x18300] =	vst v63  }
0x3f: {  	_ =	swait.ge [sflag:s1], $0x2000  }
0x40: {  	[sflag:s1] =	ssyncset.done $0x0  }
0x41: {  	s22 =	rddreg [dreg:$0x9];
	[sflag:s1] =	ssyncadd.s32 $0xFFFFE000  }
0x42: {  	[tilespmem:s4], [sflag:$0x7] =	stream.linear.gather [spmem:s22], $0x2000, $0x38;
	[tilespmem:$0x18300] =	vst v63  }
0x43: {  	_ =	swait.ge [sflag:s1], $0x2000  }
0x44: {  	[sflag:s1] =	ssyncset.done $0x0  }
0x45: {  	s23 =	rddreg [dreg:$0x13];
	[sflag:s1] =	ssyncadd.s32 $0xFFFFE000  }
0x46: {  	[hbm4b:s23+s4] =	stream.linear.scatter [tilespmem:s4], [sflag:$0x7], $0x2000, $0x38;
	[tilespmem:$0x18300] =	vst v63  }
0x47: {  	_ =	swait.ge [sflag:s1], $0x2000  }
0x48: {  	[sflag:s1] =	ssyncset.done $0x0  }
0x49: {  	s24 =	rddreg [dreg:$0xa];
	[sflag:s1] =	ssyncadd.s32 $0xFFFFE000  }
0x4a: {  	[tilespmem:s4], [sflag:$0x7] =	stream.linear.gather [spmem:s24], $0x2000, $0x38;
	[tilespmem:$0x18300] =	vst v63  }
0x4b: {  	_ =	swait.ge [sflag:s1], $0x2000  }
0x4c: {  	[sflag:s1] =	ssyncset.done $0x0  }
0x4d: {  	s26 =	rddreg [dreg:$0x14];
	[sflag:s1] =	ssyncadd.s32 $0xFFFFE000  }
0x4e: {  	[hbm4b:s26+s4] =	stream.linear.scatter [tilespmem:s4], [sflag:$0x7], $0x2000, $0x38;
	[tilespmem:$0x18300] =	vst v63  }
0x4f: {  	_ =	swait.ge [sflag:s1], $0x2000  }
0x50: {  	[sflag:s1] =	ssyncset.done $0x0  }
0x51: {  	s2 =	rddreg [dreg:$0xb];
	[sflag:s1] =	ssyncadd.s32 $0xFFFFE000  }
0x52: {  	[tilespmem:s4], [sflag:$0x7] =	stream.linear.gather [spmem:s2], $0x2000, $0x38;
	[tilespmem:$0x18300] =	vst v63  }
0x53: {  	_ =	swait.ge [sflag:s1], $0x2000  }
0x54: {  	[sflag:s1] =	ssyncset.done $0x0  }
0x55: {  	s28 =	rddreg [dreg:$0x15];
	[sflag:s1] =	ssyncadd.s32 $0xFFFFE000  }
0x56: {  	[hbm4b:s28+s4] =	stream.linear.scatter [tilespmem:s4], [sflag:$0x7], $0x2000, $0x38;
	[tilespmem:$0x18300] =	vst v63  }
0x57: {  	_ =	swait.ge [sflag:s1], $0x2000  }
0x58: {  	s29 =	rddreg [dreg:$0x17]  }
0x59: {  	s31 =	rddreg [dreg:$0x16];
	s3 =	sadd.s32 $0x1, s29  }
0x5a: {  	p0 =	sne.s32 s3, s31  }
.Ltmp1:
0x5b: {  	_ = 	snop;
	(pc) =	sbr.rel @!p0 .LBB2_18-.Ltmp1, $3  }
0x5c: {  	_ =	sdelay $0x1  }
0x5d: {  	[sflag:s1] =	ssyncset.done $0x0  }
0x5e: {  	[sflag:s1] =	ssyncadd.s32 $0xFFFFE000  }
.LBB2_1:
0x5f: {  	[dreg:$0x17] =	wrdreg s3;
	s6 =	simm.s32 $0x0;
	s8 =	simm.s32 $0x200  }
.LBB2_2:
0x60: {  	p0 =	sne.s32 s8, $0x9E00;
	[tilespmem:s6+$0x70] =	vst v0  }
0x61: {  	[tilespmem:s6+$0x0] =	vst v0  }
0x62: {  	[tilespmem:s6+$0x10] =	vst v0  }
.Ltmp2:
0x63: {  	[tilespmem:s6+$0x20] =	vst v0;
	(pc) =	sbr.rel @p0 .LBB2_2-.Ltmp2, $4  }
0x64: {  	[tilespmem:s6+$0x30] =	vst v0  }
0x65: {  	[tilespmem:s6+$0x40] =	vst v0  }
0x66: {  	[tilespmem:s6+$0x50] =	vst v0  }
0x67: {  	[tilespmem:s6+$0x60] =	vst v0;
	s6 =	sshra.s32 s8, $0x2;
	s8 =	sadd.s32 $0x200, s8  }
0x68: {  	[tilespmem:s6+$0x70] =	vst v0  }
0x69: {  	[tilespmem:s6+$0x0] =	vst v0  }
0x6a: {  	[tilespmem:s6+$0x10] =	vst v0  }
0x6b: {  	[tilespmem:s6+$0x20] =	vst v0  }
0x6c: {  	[tilespmem:s6+$0x30] =	vst v0  }
0x6d: {  	[tilespmem:s6+$0x40] =	vst v0  }
0x6e: {  	[tilespmem:s6+$0x50] =	vst v0  }
0x6f: {  	[tilespmem:s6+$0x60] =	vst v0;
	s6 =	simm.s32 $0x0;
	s0 =	rddreg [dreg:$0x8]  }
0x70: {  	[spmem:s0] =	stream.linear.scatter [tilespmem:s6], [sflag:$0x7], $0x2000, $0x38;
	[tilespmem:$0x18300] =	vst v63  }
0x71: {  	_ =	swait.ge [sflag:s1], $0x2000  }
0x72: {  	[sflag:s1] =	ssyncset.done $0x0  }
0x73: {  	s22 =	rddreg [dreg:$0x9];
	[sflag:s1] =	ssyncadd.s32 $0xFFFFE000  }
0x74: {  	[spmem:s22] =	stream.linear.scatter [tilespmem:s6], [sflag:$0x7], $0x2000, $0x38;
	[tilespmem:$0x18300] =	vst v63  }
0x75: {  	_ =	swait.ge [sflag:s1], $0x2000  }
0x76: {  	[sflag:s1] =	ssyncset.done $0x0  }
0x77: {  	s23 =	rddreg [dreg:$0xa];
	[sflag:s1] =	ssyncadd.s32 $0xFFFFE000  }
0x78: {  	[spmem:s23] =	stream.linear.scatter [tilespmem:s6], [sflag:$0x7], $0x2000, $0x38;
	[tilespmem:$0x18300] =	vst v63  }
0x79: {  	_ =	swait.ge [sflag:s1], $0x2000  }
0x7a: {  	[sflag:s1] =	ssyncset.done $0x0  }
0x7b: {  	[sflag:s1] =	ssyncadd.s32 $0xFFFFE000  }
0x7c: {  	[spmem:s2] =	stream.linear.scatter [tilespmem:s6], [sflag:$0x7], $0x2000, $0x38;
	[tilespmem:$0x18300] =	vst v63  }
0x7d: {  	_ =	swait.ge [sflag:s1], $0x2000  }
0x7e: {  	[sflag:s1] =	ssyncset.done $0x0  }
0x7f: {  	s3 =	simm.s32 $0x7800;
	s24 =	rddreg [dreg:$0xc];
	[sflag:s1] =	ssyncadd.s32 $0xFFFFE000  }
0x80: {  	[tilespmem:s3], [sflag:$0x7] =	stream.linear.gather [hbm4b:s24+s6], $0x3E80, $0x38;
	[tilespmem:$0x18300] =	vst v63  }
0x81: {  	_ =	swait.ge [sflag:s1], $0x3E80  }
0x82: {  	[sflag:s1] =	ssyncset.done $0x0  }
0x83: {  	s26 =	rddreg [dreg:$0xd];
	[sflag:s1] =	ssyncadd.s32 $0xFFFFC180  }
0x84: {  	[tilespmem:s6], [sflag:$0x1] =	stream.linear.gather [hbm4b:s26+s6], $0x2800, $0x38;
	[tilespmem:$0x18300] =	vst v63  }
0x85: {  	s28 =	rddreg [dreg:$0xe]  }
0x86: {  	[tilespmem:s9], [sflag:$0x2] =	stream.linear.gather [hbm4b:s28+s6], $0x2800, $0x38;
	[tilespmem:$0x18300] =	vst v63  }
0x87: {  	s31 =	simm.s32 $0xB800;
	s29 =	rddreg [dreg:$0x6]  }
0x88: {  	[tilespmem:s31], [sflag:$0x7] =	stream.linear.gather [hbm4b:s29+s6], $0xA80, $0x38;
	[tilespmem:$0x18300] =	vst v63  }
0x89: {  	_ =	swait.ge [sflag:s1], $0xA80  }
0x8a: {  	[sflag:s1] =	ssyncset.done $0x0  }
0x8b: {  	s8 =	simm.s32 $0x140;
	[sflag:s1] =	ssyncadd.s32 $0xFFFFF580  }
0x8c: {  	s10 =	simm.s32 $0x140;
	s9 =	simm.s32 $0x8;
	[bflag:$0x0] =	sbarrier.arrive $0xFFFF  }
.LBB2_4:
0x8d: {  	p0 =	sne.s32 s9, $0x1;
	p1 =	slt.s32 s10, $0x1;
	s11 =	sand.u32 $0x1, s10  }
0x8e: {  	s12 =	sshrl.u32 s10, $0x1F;
	p2 =	seq.s32 s11, $0x1  }
0x8f: {  	s10 =	sadd.s32 s12, s10;
	p1 =	por !p1, !p2  }
0x90: {  	s11 =	simm.s32 $0x1;
	s10 =	sshra.s32 s10, $0x1;
	p1 =	por !p1, !p1  }
0x91: {  	s11 =	simm.s32 @!p1 $0x0  }
0x92: {  	s10 =	ssub.s32 s10, s11  }
0x93: {  	s11 =	sshll.u32 s10, $0x5;
	s12 =	sadd.s32 $0x1, s10  }
0x94: {  	s11 =	sshra.s32 s11, $0x2  }
0x95: {  	v2 =	vld [tilespmem:s11+$0xB800];
	_ =	sdelay $0x4  }
0x96: {  	(v2sf) =	vpush v2, $0x0;
	_ =	sdelay $0xe  }
.Ltmp3:
0x97: {  	s11 =	spop (v2sf);
	(pc) =	sbr.rel @p0 .LBB2_4-.Ltmp3, $4  }
0x98: {  	p1 =	slt.s32 s11, s14;
	s11 =	smov.u32 s6  }
0x99: {  	p2 =	slt.s32 s6, s8;
	s11 =	smov.u32 @p1 s12;
	s10 =	smov.u32 @p1 s8  }
0x9a: {  	s6 =	smov.u32 @p2 s11;
	s8 =	smov.u32 @p2 s10  }
0x9b: {  	s9 =	sadd.s32 $0xFFFFFFFF, s9;
	s10 =	sadd.s32 s6, s8  }
0x9c: {  	s9 =	sand.u32 $0x1, s10  }
0x9d: {  	p0 =	slt.s32 s10, $0x1;
	p1 =	seq.s32 s9, $0x1  }
0x9e: {  	s31 =	sshrl.u32 s10, $0x1F;
	p0 =	por !p0, !p1  }
0x9f: {  	s9 =	sadd.s32 s31, s10;
	s10 =	simm.s32 $0x1;
	p0 =	por !p0, !p0  }
0xa0: {  	s9 =	sshra.s32 s9, $0x1;
	s10 =	simm.s32 @!p0 $0x0  }
0xa1: {  	s9 =	ssub.s32 s9, s10  }
0xa2: {  	s10 =	sshll.u32 s9, $0x5  }
0xa3: {  	s10 =	sshra.s32 s10, $0x2  }
0xa4: {  	v2 =	vld [tilespmem:s10+$0xB800];
	_ =	sdelay $0x4  }
0xa5: {  	(v2sf) =	vpush v2, $0x0;
	_ =	sdelay $0xe  }
0xa6: {  	s0 =	spop (v2sf)  }
0xa7: {  	s9 =	sadd.s32 $0x1, s9;
	s10 =	smov.u32 s6;
	p0 =	slt.s32 s0, s14  }
0xa8: {  	p1 =	slt.s32 s6, s8;
	s10 =	smov.u32 @p0 s9  }
0xa9: {  	s6 =	smov.u32 @p1 s10  }
0xaa: {  	s6 =	sshll.u32 s6, $0x3  }
0xab: {  	s6 =	sadd.s32 $0xFFFFFFF8, s6  }
0xac: {  	p0 =	sgt.s32 s6, $0x0  }
0xad: {  	s6 =	simm.s32 @!p0 $0x0  }
0xae: {  	v2 =	vld [tilespmem:s6+$0xB800];
	_ =	sdelay $0x4  }
0xaf: {  	(v2sf) =	vpush v2, $0x0  }
0xb0: {  	(v2sf) =	vpush v2, $0x1  }
0xb1: {  	(v2sf) =	vpush v2, $0x2  }
0xb2: {  	(v2sf) =	vpush v2, $0x3  }
0xb3: {  	(v2sf) =	vpush v2, $0x4;
	_ =	sdelay $0x2  }
0xb4: {  	(v2sf) =	vpush v2, $0x5  }
0xb5: {  	(v2sf) =	vpush v2, $0x6;
	_ =	sdelay $0x1  }
0xb6: {  	(v2sf) =	vpush v2, $0x7  }
0xb7: {  	(v2sf) =	vpush v2, $0x8;
	_ =	sdelay $0x3  }
0xb8: {  	(v2sf) =	vpush v2, $0x9;
	s2 =	spop (v2sf)  }
0xb9: {  	s8 =	simm.s32 $0x1;
	s9 =	simm.s32 $0x1;
	(v2sf) =	vpush v2, $0xA;
	s3 =	spop (v2sf)  }
0xba: {  	s10 =	simm.s32 $0x1;
	p0 =	slt.s32 s2, s14;
	s7 =	spop (v2sf)  }
0xbb: {  	(v2sf) =	vpush v2, $0xB;
	s8 =	simm.s32 @!p0 $0x0;
	p0 =	slt.s32 s3, s14;
	s11 =	spop (v2sf)  }
0xbc: {  	(v2sf) =	vpush v2, $0xC;
	s9 =	simm.s32 @!p0 $0x0;
	p0 =	slt.s32 s7, s14;
	s12 =	spop (v2sf)  }
0xbd: {  	s8 =	sadd.s32 s9, s8;
	s10 =	simm.s32 @!p0 $0x0;
	p0 =	slt.s32 s11, s14  }
0xbe: {  	(v2sf) =	vpush v2, $0xD;
	s11 =	simm.s32 $0x1;
	s8 =	sadd.s32 s10, s8;
	s10 =	simm.s32 $0x1  }
0xbf: {  	(v2sf) =	vpush v2, $0xE;
	s9 =	simm.s32 $0x1;
	s13 =	spop (v2sf);
	s10 =	simm.s32 @!p0 $0x0  }
0xc0: {  	p0 =	slt.s32 s12, s14;
	s15 =	spop (v2sf);
	s12 =	simm.s32 $0x1  }
0xc1: {  	(v2sf) =	vpush v2, $0xF;
	s8 =	sadd.s32 s10, s8;
	s11 =	simm.s32 @!p0 $0x0;
	p0 =	slt.s32 s13, s14  }
0xc2: {  	s16 =	spop (v2sf);
	s10 =	simm.s32 $0x1;
	s8 =	sadd.s32 s11, s8  }
0xc3: {  	s9 =	simm.s32 @!p0 $0x0;
	s17 =	spop (v2sf);
	p0 =	slt.s32 s15, s14  }
0xc4: {  	s8 =	sadd.s32 s9, s8;
	s12 =	simm.s32 @!p0 $0x0;
	p0 =	slt.s32 s16, s14  }
0xc5: {  	s11 =	simm.s32 $0x1;
	s8 =	sadd.s32 s12, s8;
	s10 =	simm.s32 @!p0 $0x0  }
0xc6: {  	p0 =	slt.s32 s17, s14;
	s8 =	sadd.s32 s10, s8;
	s10 =	simm.s32 $0x1  }
0xc7: {  	s13 =	spop (v2sf);
	s9 =	simm.s32 $0x1;
	s10 =	simm.s32 @!p0 $0x0  }
0xc8: {  	s18 =	spop (v2sf);
	p0 =	slt.s32 s13, s14;
	s8 =	sadd.s32 s10, s8  }
0xc9: {  	s11 =	simm.s32 @!p0 $0x0;
	p0 =	slt.s32 s18, s14;
	s10 =	simm.s32 $0x1  }
0xca: {  	s8 =	sadd.s32 s11, s8;
	s9 =	simm.s32 @!p0 $0x0;
	s19 =	spop (v2sf)  }
0xcb: {  	s8 =	sadd.s32 s9, s8;
	s20 =	spop (v2sf);
	p0 =	slt.s32 s19, s14  }
0xcc: {  	s9 =	simm.s32 $0x1;
	s10 =	simm.s32 @!p0 $0x0;
	p0 =	slt.s32 s20, s14  }
0xcd: {  	s21 =	spop (v2sf);
	s8 =	sadd.s32 s10, s8;
	s9 =	simm.s32 @!p0 $0x0  }
0xce: {  	p0 =	slt.s32 s21, s14;
	s10 =	simm.s32 $0x1;
	s22 =	spop (v2sf)  }
0xcf: {  	s8 =	sadd.s32 s9, s8;
	s10 =	simm.s32 @!p0 $0x0;
	p0 =	slt.s32 s22, s14  }
0xd0: {  	s9 =	simm.s32 $0x1;
	s23 =	spop (v2sf);
	s8 =	sadd.s32 s10, s8  }
0xd1: {  	s9 =	simm.s32 @!p0 $0x0;
	p0 =	slt.s32 s23, s14;
	s10 =	simm.s32 $0x1  }
0xd2: {  	s8 =	sadd.s32 s9, s8;
	s10 =	simm.s32 @!p0 $0x0  }
0xd3: {  	s8 =	sadd.s32 s10, s8  }
0xd4: {  	s6 =	sadd.s32 s6, s8;
	s8 =	sand.u32 $0x7, s8  }
0xd5: {  	s24 =	sshra.s32 s6, $0x1F;
	p5 =	slt.s32 s6, $0x1;
	p6 =	sne.s32 s8, $0x0  }
0xd6: {  	s26 =	sshrl.u32 s24, $0x1D;
	p0 =	por !p5, !p6  }
0xd7: {  	s9 =	simm.s32 $0x1;
	s8 =	sadd.s32 s26, s6;
	p0 =	por !p0, !p0  }
0xd8: {  	s8 =	sshrl.u32 s8, $0x3;
	s9 =	simm.s32 @!p0 $0x0  }
0xd9: {  	s8 =	ssub.s32 s8, s9  }
0xda: {  	s13 =	sshll.u32 s8, $0x3  }
0xdb: {  	p0 =	slt.s32 s13, $0x980  }
0xdc: {  	s13 =	simm.s32 @!p0 $0x980  }
0xdd: {  	s0 =	simm.s32 $0xC280;
	s28 =	sshll.u32 s13, $0x4  }
0xde: {  	s8 =	simm.s32 $0x0;
	s31 =	ssub.s32 s6, s13;
	s29 =	sadd.s32 s5, s28  }
0xdf: {  	[tilespmem:s0], [sflag:$0x7] =	stream.linear.gather [hbm4b:s29+s8], $0x4000, $0x38;
	[tilespmem:$0x18300] =	vst v63  }
0xe0: {  	s12 =	simm.s32 $0xF;
	s9 =	sshll.u32 s31, $0x9;
	_ =	swait.ge [sflag:s1], $0x4000  }
0xe1: {  	s11 =	simm.s32 $0x3;
	s9 =	sshra.s32 s9, $0x2;
	[sflag:s1] =	ssyncset.done $0x0  }
0xe2: {  	s10 =	simm.s32 $0xF;
	s9 =	sadd.s32 $0xC280, s9;
	[sflag:s1] =	ssyncadd.s32 $0xFFFFC000  }
.LBB2_6:
0xe3: {  	p0 =	sne.s32 s11, $0x1;
	p1 =	slt.s32 s12, $0x1;
	s15 =	sand.u32 $0x1, s12  }
0xe4: {  	s17 =	sshrl.u32 s12, $0x1F;
	p2 =	seq.s32 s15, $0x1  }
0xe5: {  	s12 =	sadd.s32 s17, s12;
	p1 =	por !p1, !p2  }
0xe6: {  	s15 =	simm.s32 $0x1;
	s12 =	sshra.s32 s12, $0x1;
	p1 =	por !p1, !p1  }
0xe7: {  	s15 =	simm.s32 @!p1 $0x0  }
0xe8: {  	s12 =	ssub.s32 s12, s15  }
0xe9: {  	s15 =	sshll.u32 s12, $0x3;
	s17 =	sadd.s32 $0x1, s12  }
0xea: {  	s19 =	sand.u32 $0xFFFFFF80, s15;
	s15 =	sand.u32 $0x78, s15  }
0xeb: {  	s19 =	sadd.s32 s19, s9  }
0xec: {  	s15 =	sadd.s32 s15, s19  }
0xed: {  	v2 =	vld [tilespmem:s15+$0x0];
	_ =	sdelay $0x4  }
0xee: {  	(v2sf) =	vpush v2, $0x0;
	_ =	sdelay $0xe  }
.Ltmp4:
0xef: {  	s15 =	spop (v2sf);
	(pc) =	sbr.rel @p0 .LBB2_6-.Ltmp4, $4  }
0xf0: {  	p1 =	slt.s32 s15, s14;
	s15 =	smov.u32 s8  }
0xf1: {  	p2 =	slt.s32 s8, s10;
	s15 =	smov.u32 @p1 s17;
	s12 =	smov.u32 @p1 s10  }
0xf2: {  	s8 =	smov.u32 @p2 s15;
	s10 =	smov.u32 @p2 s12  }
0xf3: {  	s11 =	sadd.s32 $0xFFFFFFFF, s11;
	s12 =	sadd.s32 s8, s10  }
0xf4: {  	s11 =	sand.u32 $0x1, s12  }
0xf5: {  	p0 =	slt.s32 s12, $0x1;
	p1 =	seq.s32 s11, $0x1  }
0xf6: {  	s3 =	sshrl.u32 s12, $0x1F;
	p0 =	por !p0, !p1  }
0xf7: {  	s11 =	sadd.s32 s3, s12;
	s12 =	simm.s32 $0x1;
	p0 =	por !p0, !p0  }
0xf8: {  	s11 =	sshra.s32 s11, $0x1;
	s12 =	simm.s32 @!p0 $0x0  }
0xf9: {  	s11 =	ssub.s32 s11, s12  }
0xfa: {  	s12 =	sshll.u32 s11, $0x3  }
0xfb: {  	s15 =	sand.u32 $0xFFFFFF80, s12  }
0xfc: {  	s12 =	sand.u32 $0x78, s12;
	s15 =	sadd.s32 s15, s9  }
0xfd: {  	s12 =	sadd.s32 s12, s15  }
0xfe: {  	v2 =	vld [tilespmem:s12+$0x0];
	_ =	sdelay $0x4  }
0xff: {  	(v2sf) =	vpush v2, $0x0;
	_ =	sdelay $0xe  }
0x100: {  	s7 =	spop (v2sf)  }
0x101: {  	s11 =	sadd.s32 $0x1, s11;
	s12 =	smov.u32 s8;
	p0 =	slt.s32 s7, s14  }
0x102: {  	p1 =	slt.s32 s8, s10;
	s12 =	smov.u32 @p0 s11  }
0x103: {  	s8 =	smov.u32 @p1 s12  }
0x104: {  	s8 =	sshll.u32 s8, $0x3  }
0x105: {  	s8 =	sadd.s32 $0xFFFFFFF8, s8  }
0x106: {  	p0 =	sgt.s32 s8, $0x0  }
0x107: {  	s8 =	simm.s32 @!p0 $0x0  }
0x108: {  	s8 =	smin.u32 s8, $0x70  }
0x109: {  	s15 =	sadd.s32 s8, s9  }
0x10a: {  	v2 =	vld [tilespmem:s15+$0x0];
	_ =	sdelay $0x4  }
0x10b: {  	(v2sf) =	vpush v2, $0x0;
	_ =	sdelay $0x1  }
0x10c: {  	(v2sf) =	vpush v2, $0x1  }
0x10d: {  	(v2sf) =	vpush v2, $0x2  }
0x10e: {  	(v2sf) =	vpush v2, $0x3  }
0x10f: {  	(v2sf) =	vpush v2, $0x4  }
0x110: {  	(v2sf) =	vpush v2, $0x5  }
0x111: {  	(v2sf) =	vpush v2, $0x6  }
0x112: {  	(v2sf) =	vpush v2, $0x7  }
0x113: {  	(v2sf) =	vpush v2, $0x8  }
0x114: {  	(v2sf) =	vpush v2, $0x9  }
0x115: {  	(v2sf) =	vpush v2, $0xA  }
0x116: {  	(v2sf) =	vpush v2, $0xB  }
0x117: {  	(v2sf) =	vpush v2, $0xC  }
0x118: {  	(v2sf) =	vpush v2, $0xD  }
0x119: {  	s16 =	spop (v2sf);
	(v2sf) =	vpush v2, $0xE;
	_ =	sdelay $0x1  }
0x11a: {  	s18 =	spop (v2sf)  }
0x11b: {  	s26 =	spop (v2sf)  }
0x11c: {  	s28 =	spop (v2sf)  }
0x11d: {  	s29 =	spop (v2sf)  }
0x11e: {  	s6 =	sshll.u32 s6, $0x7;
	s2 =	rddreg [dreg:$0x0];
	s17 =	spop (v2sf)  }
0x11f: {  	s3 =	rddreg [dreg:$0x4];
	s10 =	simm.s32 $0x1;
	s19 =	spop (v2sf)  }
0x120: {  	s11 =	simm.s32 $0x1;
	s12 =	simm.s32 $0x1;
	s20 =	spop (v2sf)  }
0x121: {  	s9 =	simm.s32 $0x1;
	p0 =	slt.s32 s16, s14;
	s21 =	spop (v2sf)  }
0x122: {  	s9 =	simm.s32 @!p0 $0x0;
	p0 =	slt.s32 s18, s14;
	s22 =	spop (v2sf)  }
0x123: {  	s10 =	simm.s32 @!p0 $0x0;
	p0 =	slt.s32 s26, s14;
	s23 =	spop (v2sf)  }
0x124: {  	s15 =	simm.s32 $0x1;
	s11 =	simm.s32 @!p0 $0x0;
	s24 =	spop (v2sf)  }
0x125: {  	p0 =	slt.s32 s28, s14;
	s6 =	sor.u32 s10, s6;
	s1 =	spop (v2sf)  }
0x126: {  	s10 =	simm.s32 $0x1;
	s12 =	simm.s32 @!p0 $0x0;
	s0 =	spop (v2sf)  }
0x127: {  	p0 =	slt.s32 s29, s14;
	s6 =	sor.u32 s8, s6;
	s7 =	spop (v2sf);
	(v2sf) =	vpush v2, $0xF  }
0x128: {  	s8 =	simm.s32 $0x1;
	p1 =	slt.s32 s17, s14;
	s17 =	simm.s32 $0x1  }
0x129: {  	s15 =	simm.s32 @!p0 $0x0;
	s6 =	sadd.s32 s9, s6;
	s9 =	simm.s32 $0x1  }
0x12a: {  	s17 =	simm.s32 @!p1 $0x0;
	p0 =	slt.s32 s19, s14;
	s19 =	simm.s32 $0x1  }
0x12b: {  	s6 =	sadd.s32 s11, s6;
	s11 =	simm.s32 $0x1;
	p1 =	slt.s32 s20, s14  }
0x12c: {  	s19 =	simm.s32 @!p0 $0x0;
	s6 =	sadd.s32 s12, s6;
	s12 =	simm.s32 $0x1  }
0x12d: {  	s10 =	simm.s32 @!p1 $0x0;
	p0 =	slt.s32 s21, s14;
	s6 =	sadd.s32 s15, s6  }
0x12e: {  	s15 =	simm.s32 $0x0;
	p1 =	slt.s32 s22, s14;
	s8 =	simm.s32 @!p0 $0x0  }
0x12f: {  	s6 =	sadd.s32 s17, s6;
	s9 =	simm.s32 @!p1 $0x0;
	p0 =	slt.s32 s23, s14  }
0x130: {  	s6 =	sadd.s32 s19, s6;
	p1 =	slt.s32 s24, s14;
	s11 =	simm.s32 @!p0 $0x0  }
0x131: {  	s6 =	sadd.s32 s10, s6;
	s10 =	simm.s32 $0x1;
	s12 =	simm.s32 @!p1 $0x0  }
0x132: {  	p0 =	slt.s32 s1, s14;
	s6 =	sadd.s32 s8, s6;
	s8 =	simm.s32 $0x1  }
0x133: {  	p1 =	slt.s32 s0, s14;
	s6 =	sadd.s32 s9, s6;
	s10 =	simm.s32 @!p0 $0x0  }
0x134: {  	s9 =	simm.s32 $0x1;
	s8 =	simm.s32 @!p1 $0x0;
	s6 =	sadd.s32 s11, s6  }
.Ltmp5:
0x135: {  	p0 =	slt.s32 s7, s14;
	s6 =	sadd.s32 s12, s6;
	(pc) =	sbr.rel .LBB2_8-.Ltmp5, $4  }
0x136: {  	s7 =	simm.s32 $0x1;
	s6 =	sadd.s32 s10, s6;
	s31 =	spop (v2sf)  }
0x137: {  	s7 =	simm.s32 @!p0 $0x0;
	s6 =	sadd.s32 s8, s6;
	p0 =	slt.s32 s31, s14  }
0x138: {  	s10 =	simm.s32 $0x5000;
	s6 =	sadd.s32 s7, s6;
	s9 =	simm.s32 @!p0 $0x0  }
0x139: {  	s8 =	simm.s32 $0x50;
	s17 =	sadd.s32 s9, s6;
	s9 =	simm.s32 $0x2800  }
.LBB2_16:
0x13a: {  	s0 =	simm.s32 $0x2  }
0x13b: {  	_ =	swait.ge [sflag:s0], $0x2800  }
0x13c: {  	[sflag:s0] =	ssyncset.done $0x0  }
0x13d: {  	s26 =	sadd.s32 $0x7880, s20;
	[sflag:s0] =	ssyncadd.s32 $0xFFFFD800  }
0x13e: {  	[spmem:s3] =	stream.indirect.scatter.add.f32 [tilespmem:s9], [sflag:$0x5], $0x80, s26, s8, $0xb8;
	[tilespmem:$0x18300] =	vst v63  }
0x13f: {  	s1 =	smul.u32 $0xF0, s15;
	_ =	swait.ge [sflag:s25], $0x2800  }
0x140: {  	s28 =	rddreg [dreg:$0xf]  }
0x141: {  	s0 =	sadd.s32 s1, s28  }
0x142: {  	[sflag:s25] =	ssyncset.done $0x0;
	s0 =	sshll.u32 s0, $0x4  }
0x143: {  	s6 =	simm.s32 $0x3;
	[sflag:s25] =	ssyncadd.s32 $0xFFFFD800;
	s0 =	sadd.s32 s2, s0  }
0x144: {  	[tilespmem:s4], [sflag:$0x1] =	stream.linear.gather [hbm4b:s0+s4], $0x2800, $0x38;
	[tilespmem:$0x18300] =	vst v63  }
0x145: {  	s29 =	sshll.u32 s19, $0x7;
	_ =	swait.ge [sflag:s6], $0x2800  }
0x146: {  	s0 =	sand.u32 $0x3FFFFF80, s29;
	[sflag:s6] =	ssyncset.done $0x0  }
0x147: {  	s15 =	sadd.s32 $0x1, s15;
	s0 =	sadd.s32 $0x7800, s0;
	[sflag:s6] =	ssyncadd.s32 $0xFFFFD800  }
0x148: {  	[spmem:s3] =	stream.indirect.scatter.add.f32 [tilespmem:s10], [sflag:$0x6], $0x80, s0, s8, $0xb8;
	[tilespmem:$0x18300] =	vst v63  }
0x149: {  	p0 =	sne.s32 s15, $0x29;
	_ =	swait.ge [sflag:s30], $0x2800  }
.Ltmp6:
0x14a: {  	s31 =	rddreg [dreg:$0x11];
	(pc) =	sbr.rel @!p0 .LBB2_17-.Ltmp6, $4  }
0x14b: {  	s0 =	sadd.s32 s1, s31  }
0x14c: {  	[sflag:s30] =	ssyncset.done $0x0;
	s0 =	sshll.u32 s0, $0x4  }
0x14d: {  	[sflag:s30] =	ssyncadd.s32 $0xFFFFD800;
	s0 =	sadd.s32 s2, s0  }
0x14e: {  	[tilespmem:s9], [sflag:$0x2] =	stream.linear.gather [hbm4b:s0+s4], $0x2800, $0x38;
	[tilespmem:$0x18300] =	vst v63  }
.LBB2_8:
0x14f: {  	s6 =	smul.u32 $0x600, s15;
	s0 =	simm.s32 $0x1  }
0x150: {  	_ =	swait.ge [sflag:s0], $0x2800  }
0x151: {  	[sflag:s0] =	ssyncset.done $0x0;
	s20 =	sshra.s32 s6, $0x2  }
0x152: {  	p0 =	seq.s32 s15, $0x0;
	[sflag:s0] =	ssyncadd.s32 $0xFFFFD800;
	s7 =	sadd.s32 $0x7800, s20  }
0x153: {  	[spmem:s3] =	stream.indirect.scatter.add.f32 [tilespmem:s4], [sflag:$0x4], $0x80, s7, s8, $0xb8;
	[tilespmem:$0x18300] =	vst v63  }
0x154: {  	s29 =	smul.u32 $0x3, s15;
	s7 =	simm.s32 @!p0 $0x6  }
0x155: {  	_ =	swait.ge @!p0 [sflag:s7], $0x2800  }
0x156: {  	s19 =	sadd.s32 $0x2, s29;
	[sflag:s7] =	ssyncset.done @!p0 $0x0  }
0x157: {  	s6 =	smul.u32 $0x50, s19;
	[sflag:s7] =	ssyncadd.s32 @!p0 $0xFFFFD800;
	p0 =	sgt.u32 s15, $0x7  }
.Ltmp7:
0x158: {  	s31 =	rddreg [dreg:$0x7];
	(pc) =	sbr.rel @p0 .LBB2_16-.Ltmp7, $4  }
0x159: {  	s6 =	sadd.s32 s31, s6  }
0x15a: {  	s6 =	sshll.u32 s6, $0x4  }
0x15b: {  	s6 =	sadd.s32 s2, s6  }
0x15c: {  	[tilespmem:s10], [sflag:$0x3] =	stream.linear.gather [hbm4b:s6+s4], $0x2800, $0x38;
	[tilespmem:$0x18300] =	vst v63  }
0x15d: {  	s21 =	sshll.u32 s15, $0x4  }
0x15e: {  	s23 =	simm.s32 $0x0;
	v2 =	vimm.f32 $0.0e+00;
	s22 =	sor.u32 s14, s21  }
.LBB2_10:
0x15f: {  	s6 =	sadd.s32 s22, s23;
	s9 =	simm.s32 $0x140  }
0x160: {  	s11 =	simm.s32 $0x140;
	s10 =	simm.s32 $0x8;
	s8 =	simm.s32 $0x0  }
.LBB2_11:
0x161: {  	p0 =	sne.s32 s10, $0x1;
	p1 =	slt.s32 s11, $0x1;
	s7 =	sand.u32 $0x1, s11  }
0x162: {  	s12 =	sshrl.u32 s11, $0x1F;
	p2 =	seq.s32 s7, $0x1  }
0x163: {  	s7 =	sadd.s32 s12, s11;
	p1 =	por !p1, !p2  }
0x164: {  	s11 =	simm.s32 $0x1;
	s7 =	sshra.s32 s7, $0x1;
	p1 =	por !p1, !p1  }
0x165: {  	s11 =	simm.s32 @!p1 $0x0  }
0x166: {  	s7 =	ssub.s32 s7, s11  }
0x167: {  	s11 =	sshll.u32 s7, $0x5;
	s12 =	sadd.s32 $0x1, s7  }
0x168: {  	s11 =	sshra.s32 s11, $0x2  }
0x169: {  	v3 =	vld [tilespmem:s11+$0xB800];
	_ =	sdelay $0x4  }
0x16a: {  	(v2sf) =	vpush v3, $0x0;
	_ =	sdelay $0xe  }
.Ltmp8:
0x16b: {  	s11 =	spop (v2sf);
	(pc) =	sbr.rel @p0 .LBB2_11-.Ltmp8, $4  }
0x16c: {  	p1 =	sle.s32 s11, s6;
	s11 =	smov.u32 s8  }
0x16d: {  	p2 =	slt.s32 s8, s9;
	s11 =	smov.u32 @p1 s12;
	s7 =	smov.u32 @p1 s9  }
0x16e: {  	s8 =	smov.u32 @p2 s11;
	s9 =	smov.u32 @p2 s7  }
0x16f: {  	s10 =	sadd.s32 $0xFFFFFFFF, s10;
	s11 =	sadd.s32 s8, s9  }
0x170: {  	s7 =	sand.u32 $0x1, s11  }
0x171: {  	p0 =	slt.s32 s11, $0x1;
	p1 =	seq.s32 s7, $0x1  }
0x172: {  	s2 =	sshrl.u32 s11, $0x1F;
	p0 =	por !p0, !p1  }
0x173: {  	s10 =	simm.s32 $0x1;
	s7 =	sadd.s32 s2, s11;
	p0 =	por !p0, !p0  }
0x174: {  	s7 =	sshra.s32 s7, $0x1;
	s10 =	simm.s32 @!p0 $0x0  }
0x175: {  	s7 =	ssub.s32 s7, s10  }
0x176: {  	s10 =	sshll.u32 s7, $0x5  }
0x177: {  	s10 =	sshra.s32 s10, $0x2  }
0x178: {  	v3 =	vld [tilespmem:s10+$0xB800];
	_ =	sdelay $0x4  }
0x179: {  	(v2sf) =	vpush v3, $0x0;
	_ =	sdelay $0xe  }
0x17a: {  	s3 =	spop (v2sf)  }
0x17b: {  	s7 =	sadd.s32 $0x1, s7;
	s10 =	smov.u32 s8;
	p0 =	sle.s32 s3, s6  }
0x17c: {  	p1 =	slt.s32 s8, s9;
	s10 =	smov.u32 @p0 s7  }
0x17d: {  	s8 =	smov.u32 @p1 s10  }
0x17e: {  	s11 =	sshll.u32 s8, $0x3  }
0x17f: {  	s8 =	sadd.s32 $0xFFFFFFF8, s11  }
0x180: {  	p0 =	sgt.s32 s8, $0x0  }
0x181: {  	s8 =	simm.s32 @!p0 $0x0  }
0x182: {  	v3 =	vld [tilespmem:s8+$0xB800];
	_ =	sdelay $0x4  }
0x183: {  	(v2sf) =	vpush v3, $0x0  }
0x184: {  	(v2sf) =	vpush v3, $0x1;
	_ =	sdelay $0x1  }
0x185: {  	(v2sf) =	vpush v3, $0x2  }
0x186: {  	(v2sf) =	vpush v3, $0x3  }
0x187: {  	(v2sf) =	vpush v3, $0x4;
	_ =	sdelay $0x1  }
0x188: {  	(v2sf) =	vpush v3, $0x5  }
0x189: {  	(v2sf) =	vpush v3, $0x6;
	_ =	sdelay $0x1  }
0x18a: {  	(v2sf) =	vpush v3, $0x7;
	_ =	sdelay $0x1  }
0x18b: {  	(v2sf) =	vpush v3, $0x8;
	_ =	sdelay $0x2  }
0x18c: {  	s12 =	spop (v2sf);
	(v2sf) =	vpush v3, $0x9  }
0x18d: {  	s9 =	simm.s32 $0x1;
	s7 =	simm.s32 $0x1;
	s16 =	spop (v2sf);
	(v2sf) =	vpush v3, $0xA  }
0x18e: {  	s10 =	simm.s32 $0x1;
	s11 =	simm.s32 $0x1;
	p0 =	sle.s32 s12, s6  }
0x18f: {  	s18 =	spop (v2sf);
	(v2sf) =	vpush v3, $0xB;
	s7 =	simm.s32 @!p0 $0x0;
	p0 =	sle.s32 s16, s6  }
0x190: {  	s24 =	spop (v2sf);
	(v2sf) =	vpush v3, $0xC;
	s9 =	simm.s32 @!p0 $0x0;
	p0 =	sle.s32 s18, s6  }
0x191: {  	s12 =	spop (v2sf);
	s7 =	sadd.s32 s9, s7;
	s10 =	simm.s32 @!p0 $0x0  }
0x192: {  	(v2sf) =	vpush v3, $0xD;
	p0 =	sle.s32 s24, s6;
	s7 =	sadd.s32 s10, s7;
	s10 =	simm.s32 $0x1  }
0x193: {  	s9 =	simm.s32 $0x1;
	s26 =	spop (v2sf);
	(v2sf) =	vpush v3, $0xE;
	s10 =	simm.s32 @!p0 $0x0  }
0x194: {  	p0 =	sle.s32 s12, s6;
	s28 =	spop (v2sf);
	s12 =	simm.s32 $0x1  }
0x195: {  	(v2sf) =	vpush v3, $0xF;
	s7 =	sadd.s32 s10, s7;
	s11 =	simm.s32 @!p0 $0x0;
	p0 =	sle.s32 s26, s6  }
0x196: {  	s29 =	spop (v2sf);
	s7 =	sadd.s32 s11, s7;
	s9 =	simm.s32 @!p0 $0x0  }
0x197: {  	p0 =	sle.s32 s28, s6;
	s7 =	sadd.s32 s9, s7;
	s9 =	simm.s32 $0x1  }
0x198: {  	s10 =	simm.s32 $0x1;
	s31 =	spop (v2sf);
	s9 =	simm.s32 @!p0 $0x0  }
0x199: {  	s11 =	simm.s32 $0x1;
	p0 =	sle.s32 s29, s6;
	s7 =	sadd.s32 s9, s7  }
0x19a: {  	s10 =	simm.s32 @!p0 $0x0;
	p0 =	sle.s32 s31, s6;
	s9 =	simm.s32 $0x1  }
0x19b: {  	s7 =	sadd.s32 s10, s7;
	s11 =	simm.s32 @!p0 $0x0;
	s0 =	spop (v2sf)  }
0x19c: {  	s10 =	simm.s32 $0x1;
	s1 =	spop (v2sf);
	p0 =	sle.s32 s0, s6  }
0x19d: {  	s7 =	sadd.s32 s11, s7;
	s12 =	simm.s32 @!p0 $0x0;
	p0 =	sle.s32 s1, s6  }
0x19e: {  	s2 =	spop (v2sf);
	s7 =	sadd.s32 s12, s7;
	s9 =	simm.s32 @!p0 $0x0  }
0x19f: {  	s3 =	spop (v2sf);
	p0 =	sle.s32 s2, s6;
	s7 =	sadd.s32 s9, s7  }
0x1a0: {  	s10 =	simm.s32 @!p0 $0x0;
	p0 =	sle.s32 s3, s6;
	s9 =	simm.s32 $0x1  }
0x1a1: {  	s16 =	spop (v2sf);
	s7 =	sadd.s32 s10, s7;
	s9 =	simm.s32 @!p0 $0x0  }
0x1a2: {  	p0 =	sle.s32 s16, s6;
	s10 =	simm.s32 $0x1;
	s18 =	spop (v2sf)  }
0x1a3: {  	s7 =	sadd.s32 s9, s7;
	s10 =	simm.s32 @!p0 $0x0;
	p0 =	sle.s32 s18, s6  }
0x1a4: {  	s9 =	simm.s32 $0x1;
	s24 =	spop (v2sf);
	s7 =	sadd.s32 s10, s7  }
0x1a5: {  	s9 =	simm.s32 @!p0 $0x0;
	p0 =	sle.s32 s24, s6;
	s10 =	simm.s32 $0x1  }
0x1a6: {  	s7 =	sadd.s32 s9, s7;
	s10 =	simm.s32 @!p0 $0x0  }
0x1a7: {  	s7 =	sadd.s32 s10, s7  }
0x1a8: {  	s8 =	sadd.s32 s8, s7;
	s7 =	sand.u32 $0x7, s7  }
0x1a9: {  	s26 =	sshra.s32 s8, $0x1F;
	p3 =	slt.s32 s8, $0x1;
	p4 =	sne.s32 s7, $0x0  }
0x1aa: {  	s28 =	sshrl.u32 s26, $0x1D;
	p0 =	por !p3, !p4  }
0x1ab: {  	s9 =	simm.s32 $0x1;
	s7 =	sadd.s32 s28, s8;
	p0 =	por !p0, !p0  }
0x1ac: {  	s7 =	sshrl.u32 s7, $0x3;
	s9 =	simm.s32 @!p0 $0x0  }
0x1ad: {  	s7 =	ssub.s32 s7, s9  }
0x1ae: {  	s29 =	sadd.s32 $0x80, s13;
	s7 =	sshll.u32 s7, $0x3  }
0x1af: {  	p5 =	slt.s32 s8, s13;
	p6 =	sge.s32 s8, s29;
	p2 =	slt.s32 s7, $0x980  }
0x1b0: {  	p0 =	por p5, p6;
	s7 =	simm.s32 @!p2 $0x980  }
0x1b1: {  	s9 =	sshll.u32 @p0 s7, $0x4  }
0x1b2: {  	s13 =	smov.u32 @p0 s7;
	s7 =	sand.u32 @p0 $0xFFFFF80, s9  }
0x1b3: {  	s10 =	simm.s32 @p0 $0xC280;
	s9 =	simm.s32 @p0 $0x0;
	s7 =	sadd.s32 @p0 s5, s7  }
0x1b4: {  	[tilespmem:s10], [sflag:$0x7] =	stream.linear.gather @p0 [hbm4b:s7+s9], $0x4000, $0x38;
	[tilespmem:$0x18300] =	vst v63  }
0x1b5: {  	s11 =	simm.s32 $0xF;
	s31 =	ssub.s32 s8, s13;
	s7 =	simm.s32 @p0 $0x7  }
0x1b6: {  	s12 =	simm.s32 $0x3;
	s9 =	sshll.u32 s31, $0x9;
	_ =	swait.ge @p0 [sflag:s7], $0x4000  }
0x1b7: {  	s24 =	simm.s32 $0xF;
	s9 =	sshra.s32 s9, $0x2;
	[sflag:s7] =	ssyncset.done @p0 $0x0  }
0x1b8: {  	s10 =	simm.s32 $0x0;
	s9 =	sadd.s32 $0xC280, s9;
	[sflag:s7] =	ssyncadd.s32 @p0 $0xFFFFC000  }
.LBB2_13:
0x1b9: {  	p0 =	sne.s32 s12, $0x1;
	p1 =	slt.s32 s24, $0x1;
	s7 =	sand.u32 $0x1, s24  }
0x1ba: {  	s16 =	sshrl.u32 s24, $0x1F;
	p2 =	seq.s32 s7, $0x1  }
0x1bb: {  	s7 =	sadd.s32 s16, s24;
	p1 =	por !p1, !p2  }
0x1bc: {  	s16 =	simm.s32 $0x1;
	s7 =	sshra.s32 s7, $0x1;
	p1 =	por !p1, !p1  }
0x1bd: {  	s16 =	simm.s32 @!p1 $0x0  }
0x1be: {  	s7 =	ssub.s32 s7, s16  }
0x1bf: {  	s16 =	sshll.u32 s7, $0x3;
	s24 =	sadd.s32 $0x1, s7  }
0x1c0: {  	s18 =	sand.u32 $0xFFFFFF80, s16;
	s16 =	sand.u32 $0x78, s16  }
0x1c1: {  	s18 =	sadd.s32 s18, s9  }
0x1c2: {  	s16 =	sadd.s32 s16, s18  }
0x1c3: {  	v3 =	vld [tilespmem:s16+$0x0];
	_ =	sdelay $0x4  }
0x1c4: {  	(v2sf) =	vpush v3, $0x0;
	_ =	sdelay $0xe  }
.Ltmp9:
0x1c5: {  	s16 =	spop (v2sf);
	(pc) =	sbr.rel @p0 .LBB2_13-.Ltmp9, $4  }
0x1c6: {  	p1 =	sle.s32 s16, s6;
	s16 =	smov.u32 s10  }
0x1c7: {  	p2 =	slt.s32 s10, s11;
	s16 =	smov.u32 @p1 s24;
	s7 =	smov.u32 @p1 s11  }
0x1c8: {  	s10 =	smov.u32 @p2 s16;
	s11 =	smov.u32 @p2 s7  }
0x1c9: {  	s12 =	sadd.s32 $0xFFFFFFFF, s12;
	s24 =	sadd.s32 s10, s11  }
0x1ca: {  	s7 =	sand.u32 $0x1, s24  }
0x1cb: {  	p0 =	slt.s32 s24, $0x1;
	p1 =	seq.s32 s7, $0x1  }
0x1cc: {  	s0 =	sshrl.u32 s24, $0x1F;
	p0 =	por !p0, !p1  }
0x1cd: {  	s12 =	simm.s32 $0x1;
	s7 =	sadd.s32 s0, s24;
	p0 =	por !p0, !p0  }
0x1ce: {  	s7 =	sshra.s32 s7, $0x1;
	s12 =	simm.s32 @!p0 $0x0  }
0x1cf: {  	s7 =	ssub.s32 s7, s12  }
0x1d0: {  	s12 =	sshll.u32 s7, $0x3  }
0x1d1: {  	s16 =	sand.u32 $0xFFFFFF80, s12  }
0x1d2: {  	s12 =	sand.u32 $0x78, s12;
	s16 =	sadd.s32 s16, s9  }
0x1d3: {  	s12 =	sadd.s32 s12, s16  }
0x1d4: {  	v3 =	vld [tilespmem:s12+$0x0];
	_ =	sdelay $0x4  }
0x1d5: {  	(v2sf) =	vpush v3, $0x0;
	_ =	sdelay $0xe  }
0x1d6: {  	s1 =	spop (v2sf)  }
0x1d7: {  	s7 =	sadd.s32 $0x1, s7;
	s12 =	smov.u32 s10;
	p0 =	sle.s32 s1, s6  }
0x1d8: {  	p1 =	slt.s32 s10, s11;
	s12 =	smov.u32 @p0 s7  }
0x1d9: {  	s10 =	smov.u32 @p1 s12  }
0x1da: {  	s2 =	sshll.u32 s10, $0x3  }
0x1db: {  	s7 =	sadd.s32 $0xFFFFFFF8, s2  }
0x1dc: {  	p0 =	sgt.s32 s7, $0x0  }
0x1dd: {  	s7 =	simm.s32 @!p0 $0x0  }
0x1de: {  	s7 =	smin.u32 s7, $0x70  }
0x1df: {  	s3 =	sadd.s32 s7, s9  }
0x1e0: {  	v3 =	vld [tilespmem:s3+$0x0];
	_ =	sdelay $0x4  }
0x1e1: {  	(v2sf) =	vpush v3, $0x0;
	_ =	sdelay $0x1  }
0x1e2: {  	(v2sf) =	vpush v3, $0x1  }
0x1e3: {  	(v2sf) =	vpush v3, $0x2  }
0x1e4: {  	(v2sf) =	vpush v3, $0x3  }
0x1e5: {  	(v2sf) =	vpush v3, $0x4  }
0x1e6: {  	(v2sf) =	vpush v3, $0x5  }
0x1e7: {  	(v2sf) =	vpush v3, $0x6  }
0x1e8: {  	(v2sf) =	vpush v3, $0x7  }
0x1e9: {  	(v2sf) =	vpush v3, $0x8  }
0x1ea: {  	(v2sf) =	vpush v3, $0x9  }
0x1eb: {  	(v2sf) =	vpush v3, $0xA  }
0x1ec: {  	(v2sf) =	vpush v3, $0xB  }
0x1ed: {  	(v2sf) =	vpush v3, $0xC  }
0x1ee: {  	(v2sf) =	vpush v3, $0xD  }
0x1ef: {  	s10 =	spop (v2sf);
	(v2sf) =	vpush v3, $0xE;
	_ =	sdelay $0x1  }
0x1f0: {  	s11 =	spop (v2sf)  }
0x1f1: {  	s12 =	spop (v2sf)  }
0x1f2: {  	s16 =	spop (v2sf)  }
0x1f3: {  	s3 =	spop (v2sf)  }
0x1f4: {  	s18 =	spop (v2sf)  }
0x1f5: {  	s8 =	sshll.u32 s8, $0x7;
	s24 =	spop (v2sf)  }
0x1f6: {  	s9 =	simm.s32 $0x1;
	p0 =	sle.s32 s10, s6;
	s0 =	spop (v2sf)  }
0x1f7: {  	s10 =	simm.s32 $0x1;
	s9 =	simm.s32 @!p0 $0x0;
	s26 =	spop (v2sf)  }
0x1f8: {  	p0 =	sle.s32 s11, s6;
	s11 =	simm.s32 $0x1;
	s1 =	spop (v2sf)  }
0x1f9: {  	s10 =	simm.s32 @!p0 $0x0;
	p0 =	sle.s32 s12, s6;
	s2 =	spop (v2sf)  }
0x1fa: {  	s12 =	simm.s32 $0x1;
	s11 =	simm.s32 @!p0 $0x0;
	s28 =	spop (v2sf)  }
0x1fb: {  	p0 =	sle.s32 s16, s6;
	s16 =	simm.s32 $0x1;
	s31 =	spop (v2sf)  }
0x1fc: {  	s8 =	sor.u32 s10, s8;
	s12 =	simm.s32 @!p0 $0x0;
	s29 =	spop (v2sf)  }
0x1fd: {  	p0 =	sle.s32 s3, s6;
	s7 =	sor.u32 s7, s8;
	s3 =	spop (v2sf);
	(v2sf) =	vpush v3, $0xF  }
0x1fe: {  	s8 =	simm.s32 $0x1;
	p1 =	sle.s32 s18, s6;
	s18 =	simm.s32 $0x1  }
0x1ff: {  	s16 =	simm.s32 @!p0 $0x0;
	s7 =	sadd.s32 s9, s7;
	s9 =	simm.s32 $0x1  }
0x200: {  	s18 =	simm.s32 @!p1 $0x0;
	p0 =	sle.s32 s24, s6;
	s24 =	simm.s32 $0x1  }
0x201: {  	s7 =	sadd.s32 s11, s7;
	p1 =	sle.s32 s0, s6;
	s0 =	simm.s32 $0x1  }
0x202: {  	s24 =	simm.s32 @!p0 $0x0;
	s7 =	sadd.s32 s12, s7;
	s0 =	simm.s32 @!p1 $0x0  }
0x203: {  	p0 =	sle.s32 s26, s6;
	s7 =	sadd.s32 s16, s7;
	p1 =	sle.s32 s1, s6  }
0x204: {  	s1 =	simm.s32 $0x1;
	s8 =	simm.s32 @!p0 $0x0;
	s7 =	sadd.s32 s18, s7  }
0x205: {  	s1 =	simm.s32 @!p1 $0x0;
	p0 =	sle.s32 s2, s6;
	s2 =	simm.s32 $0x1  }
0x206: {  	s7 =	sadd.s32 s24, s7;
	p1 =	sle.s32 s28, s6;
	s2 =	simm.s32 @!p0 $0x0  }
0x207: {  	s0 =	sadd.s32 s0, s7;
	s7 =	simm.s32 $0x1;
	s9 =	simm.s32 @!p1 $0x0  }
0x208: {  	p0 =	sle.s32 s31, s6;
	s0 =	sadd.s32 s8, s0;
	s8 =	simm.s32 $0x1  }
0x209: {  	p1 =	sle.s32 s29, s6;
	s0 =	sadd.s32 s1, s0;
	s7 =	simm.s32 @!p0 $0x0  }
0x20a: {  	s1 =	simm.s32 $0x1;
	s8 =	simm.s32 @!p1 $0x0;
	s0 =	sadd.s32 s2, s0  }
0x20b: {  	s2 =	simm.s32 $0x1;
	v3 =	vmov s23;
	s23 =	sadd.s32 $0x1, s23;
	s0 =	sadd.s32 s9, s0  }
0x20c: {  	p0 =	sle.s32 s3, s6;
	s0 =	sadd.s32 s7, s0;
	s31 =	spop (v2sf)  }
0x20d: {  	s1 =	simm.s32 @!p0 $0x0;
	s0 =	sadd.s32 s8, s0;
	p0 =	sle.s32 s31, s6  }
0x20e: {  	s0 =	sadd.s32 s1, s0;
	s2 =	simm.s32 @!p0 $0x0;
	p0 =	sne.s32 s23, $0x10  }
.Ltmp10:
0x20f: {  	s6 =	sadd.s32 s2, s0;
	(pc) =	sbr.rel @p0 .LBB2_10-.Ltmp10, $4  }
0x210: {  	s0 =	ssub.s32 s6, s17  }
0x211: {  	s0 =	scvt.s32.f32 s0  }
0x212: {  	vm0 =	veq.s32 v3, v1  }
0x213: {  	s17 =	smov.u32 s6;
	v2 =	vsel vm0, s0, v2  }
.Ltmp11:
0x214: {  	(pc) =	sbr.rel .LBB2_16-.Ltmp11, $4  }
0x215: {  	_ = 	snop  }
0x216: {  	s2 =	rddreg [dreg:$0x0]  }
0x217: {  	s0 =	sand.u32 $0x3FFFFFF0, s21;
	s17 =	smov.u32 s6;
	s3 =	rddreg [dreg:$0x4]  }
0x218: {  	s9 =	simm.s32 $0x2800;
	s8 =	simm.s32 $0x50;
	s10 =	simm.s32 $0x5000;
	[tilespmem:s0+$0x10280] =	vst v2  }
.LBB2_18:
0x219: {  	_ =	sfence.sel $0x180000  }
0x21a: {  	[bflag:$0x0] =	sbarrier.arrive $0xFFFF  }
0x21b: {  	_ =	strace $0x90000047  }
0x21c: {  	s0 =	stileid.u32;
	[bflag:$0x2] =	sbarrier.arrive $0xFFFF  }
0x21d: {  	p0 =	sne.s32 s0, $0x0;
	s0 =	rddreg [dreg:$0x5]  }
0x21e: {  	s0 =	sadd.s32 @!p0 $0x100000, s0  }
0x21f: {  	[sflag:s0] =	ssyncadd.tile.s32 @!p0 $0x1;
	_ =	shalt  }
.Lfunc_end2:
_tile_overlayer_lowered:
.L_overlay_start_2:
0x220: {  	(tag) =	ssettag $0x2  }
0x221: {  	s0 =	rddreg [dreg:$0x0];
	s2 =	stileid.u32  }
0x222: {  	s1 =	rddreg [dreg:$0x1];
	p0 =	sne.s32 s2, $0x0  }
0x223: {  	s3 =	rddreg [dreg:$0x2];
	[bflag:$0x3] =	sbarrier.arrive $0xFFFF;
	s2 =	simm.s32 @!p0 $0x1C07  }
0x224: {  	[timem:s3], [sflag:s2] =	dma.local @!p0 [hbm:s0], s1  }
0x225: {  	s0 =	simm.s32 @!p0 $0x7  }
0x226: {  	_ =	swait.ge @!p0 [sflag:s0], s1  }
0x227: {  	s1 =	ssub.s32 @!p0 $0x0, s1;
	[sflag:s0] =	ssyncset.done @!p0 $0x0  }
0x228: {  	[sflag:s0] =	ssyncadd.s32 @!p0 s1  }
0x229: {  	[bflag:$0x3] =	sbarrier.arrive $0xFFFF  }
0x22a: {  	_ =	shalt  }

</sc_bundles>
